<compile_context>
chip_gen: v7x
topology: tpu7x:2x2x1
jax: 0.10.2.dev20260603
libtpu: 0.0.44.dev20260713+nightly
codegen_flags: <defaults>
</compile_context>

<pallas_src>
import dataclasses
import functools

import jax
import jax.numpy as jnp
from jax import lax
from jax.experimental import pallas as pl
from jax.experimental.pallas import tpu as pltpu
from jax.experimental.pallas import tpu_sc as plsc

N_NODES = 10000
D = 128
E = 320000

NC = 2
NS = 16
NW = NC * NS
EPW = E // NW
CHUNK = 80
NCH = EPW // CHUNK
RPS = N_NODES // NS
HL = 16
NBINS = 10240
NBR = NBINS // 128


def _hist_body(row_hbm, col_hbm, out_hbm, rbins, cbins, ridx, cidx, obuf):
    cid = lax.axis_index("c")
    sid = lax.axis_index("s")
    wid = sid * NC + cid
    base = wid * EPW
    zeros16 = jnp.zeros((HL,), jnp.float32)

    @pl.loop(0, NBINS // HL)
    def _(i):
        rbins[pl.ds(i * HL, HL)] = zeros16
        cbins[pl.ds(i * HL, HL)] = zeros16

    pltpu.sync_copy(row_hbm.at[pl.ds(base, EPW)], ridx)
    pltpu.sync_copy(col_hbm.at[pl.ds(base, EPW)], cidx)

    @pl.loop(0, EPW // HL)
    def _(v):
        k = ridx[pl.ds(v * HL, HL)]
        cnt, last = plsc.scan_count(k)
        plsc.addupdate_scatter(rbins, [k], cnt.astype(jnp.float32), mask=last)
        k2 = cidx[pl.ds(v * HL, HL)]
        cnt2, last2 = plsc.scan_count(k2)
        plsc.addupdate_scatter(cbins, [k2], cnt2.astype(jnp.float32),
                               mask=last2)

    def emit(bins, t):
        @pl.loop(0, NBR)
        def _(r):
            for l in range(8):
                obuf[r, pl.ds(l * HL, HL)] = bins[pl.ds((r * 8 + l) * HL, HL)]

        pltpu.sync_copy(obuf, out_hbm.at[cid, sid, t])

    emit(rbins, 0)
    emit(cbins, 1)


ECH = 104
NBUF = 3
NFULL = EPW // ECH
NGRP = NFULL // NBUF
TAIL = EPW - NFULL * ECH


def _edge_body(y_hbm, row_hbm, col_hbm, zeros_hbm, out_hbm,
               acc, ridx, cidxt,
               cidx0, cidx1, cidx2, fbuf0, fbuf1, fbuf2,
               sg0, sg1, sg2, sc0, sc1, sc2, ss0, ss1, ss2):
    cid = lax.axis_index("c")
    sid = lax.axis_index("s")
    wid = sid * NC + cid
    base = wid * EPW
    rs = sid * RPS

    pltpu.sync_copy(zeros_hbm, acc.at[pl.ds(rs, RPS)])
    pltpu.sync_copy(row_hbm.at[pl.ds(base, EPW)], ridx)
    plsc.subcore_barrier()

    bufs = ((cidx0, fbuf0, sg0, sc0, ss0), (cidx1, fbuf1, sg1, sc1, ss1),
            (cidx2, fbuf2, sg2, sc2, ss2))

    @pl.loop(0, NGRP)
    def _(q):
        for p in range(NBUF):
            j = q * NBUF + p
            cidx, fbuf, sg, sc, ss = bufs[p]

            @pl.when(q > 0)
            def _():
                pltpu.make_async_copy(fbuf, acc.at[cidx], ss).wait()

            pltpu.async_copy(col_hbm.at[pl.ds(base + j * ECH, ECH)], cidx, sc)
            pltpu.async_copy(y_hbm.at[ridx.at[pl.ds(j * ECH, ECH)]], fbuf, sg)
        for p in range(NBUF):
            cidx, fbuf, sg, sc, ss = bufs[p]
            j = q * NBUF + p
            pltpu.make_async_copy(
                y_hbm.at[ridx.at[pl.ds(j * ECH, ECH)]], fbuf, sg).wait()
            pltpu.make_async_copy(
                col_hbm.at[pl.ds(base + j * ECH, ECH)], cidx, sc).wait()
            pltpu.async_copy(fbuf, acc.at[cidx], ss, add=True)

    for p in range(NBUF):
        cidx, fbuf, sg, sc, ss = bufs[p]
        pltpu.make_async_copy(fbuf, acc.at[cidx], ss).wait()

    b = base + NFULL * ECH
    pltpu.sync_copy(col_hbm.at[pl.ds(b, TAIL)], cidxt)
    pltpu.sync_copy(y_hbm.at[ridx.at[pl.ds(NFULL * ECH, TAIL)]],
                    fbuf0.at[pl.ds(0, TAIL)])
    pltpu.sync_copy(fbuf0.at[pl.ds(0, TAIL)], acc.at[cidxt], add=True)

    plsc.subcore_barrier()
    pltpu.sync_copy(acc.at[pl.ds(rs, RPS)], out_hbm.at[cid, sid])


@functools.cache
def _sc_kernels():
    mesh = plsc.VectorSubcoreMesh(core_axis_name="c", subcore_axis_name="s")
    cp = pltpu.CompilerParams()
    if "needs_layout_passes" in pltpu.CompilerParams.__dataclass_fields__:
        cp = dataclasses.replace(cp, needs_layout_passes=False)
    hist = pl.kernel(
        _hist_body,
        out_type=jax.ShapeDtypeStruct((NC, NS, 2, NBR, 128), jnp.float32),
        mesh=mesh,
        compiler_params=cp,
        scratch_types=[
            pltpu.VMEM((NBINS,), jnp.float32),
            pltpu.VMEM((NBINS,), jnp.float32),
            pltpu.VMEM((EPW,), jnp.int32),
            pltpu.VMEM((EPW,), jnp.int32),
            pltpu.VMEM((NBR, 128), jnp.float32),
        ],
    )
    edge = pl.kernel(
        _edge_body,
        out_type=jax.ShapeDtypeStruct((NC, NS, RPS, D), jnp.float32),
        mesh=mesh,
        scratch_types=(
            [pltpu.VMEM_SHARED((N_NODES, D), jnp.float32),
             pltpu.VMEM((EPW,), jnp.int32),
             pltpu.VMEM((TAIL,), jnp.int32)]
            + [pltpu.VMEM((ECH,), jnp.int32)] * NBUF
            + [pltpu.VMEM((ECH, D), jnp.float32)] * NBUF
            + [pltpu.SemaphoreType.DMA] * (3 * NBUF)
        ),
    )
    return hist, edge


_BLK = 2000


def _deg_body(h_ref, s_ref):
    deg = jnp.sum(h_ref[...], axis=0)
    s_ref[...] = jnp.where(deg > 0.5, lax.rsqrt(jnp.maximum(deg, 1e-12)), 0.0)


_deg_scale = pl.pallas_call(
    _deg_body,
    out_shape=jax.ShapeDtypeStruct((2, NBR, 128), jnp.float32),
)


def _mm_scale_body(x_ref, w_ref, r_ref, y_ref):
    xw = jnp.dot(x_ref[...], w_ref[...], preferred_element_type=jnp.float32)
    y_ref[...] = xw * r_ref[...]


_mm_scale = pl.pallas_call(
    _mm_scale_body,
    grid=(N_NODES // _BLK,),
    in_specs=[
        pl.BlockSpec((_BLK, D), lambda i: (i, 0)),
        pl.BlockSpec((D, D), lambda i: (0, 0)),
        pl.BlockSpec((_BLK, 1), lambda i: (i, 0)),
    ],
    out_specs=pl.BlockSpec((_BLK, D), lambda i: (i, 0)),
    out_shape=jax.ShapeDtypeStruct((N_NODES, D), jnp.float32),
)


def _finish_body(p_ref, c_ref, b_ref, o_ref):
    o_ref[...] = (p_ref[0] + p_ref[1]) * c_ref[...] + b_ref[...]


_finish = pl.pallas_call(
    _finish_body,
    grid=(N_NODES // _BLK,),
    in_specs=[
        pl.BlockSpec((NC, _BLK, D), lambda i: (0, i, 0)),
        pl.BlockSpec((_BLK, 1), lambda i: (i, 0)),
        pl.BlockSpec((1, D), lambda i: (0, 0)),
    ],
    out_specs=pl.BlockSpec((_BLK, D), lambda i: (i, 0)),
    out_shape=jax.ShapeDtypeStruct((N_NODES, D), jnp.float32),
)


def kernel(x, edge_index, weight, bias):
    row = edge_index[0].astype(jnp.int32)
    col = edge_index[1].astype(jnp.int32)
    zeros_d = jnp.zeros((RPS, D), jnp.float32)

    hist_kernel, edge_kernel = _sc_kernels()
    hist = hist_kernel(row, col).reshape(NW, 2, NBR, 128)
    scale = _deg_scale(hist).reshape(2, NBINS)[:, :N_NODES]
    r_vec = scale[0].reshape(N_NODES, 1)
    c_vec = scale[1].reshape(N_NODES, 1)
    y = _mm_scale(x, weight, r_vec)
    partials = edge_kernel(y, row, col, zeros_d).reshape(NC, N_NODES, D)
    return _finish(partials, c_vec, bias.reshape(1, D))

# --- scband reference (transcript-rebuilt; emitter-appended) ---
"""Pipeline reference for scband-encoder-79001628443245 (READ-ONLY COPY).

The authoritative reference and input builder live on the scoring server;
editing this copy changes nothing except your own understanding.
"""

import jax, jax.numpy as jnp
import numpy as np

N_GENES = 10000
N_DRUGS = 10000
D_IN = 128
D_OUT = 128
N_EDGES = 320000


def setup_inputs(seed: int = 0) -> dict:
    key = jax.random.key(seed)
    k_x, k_e, k_w = jax.random.split(key, 3)
    x = jax.random.normal(k_x, (N_GENES, D_IN), dtype=jnp.float32)
    edge_index = jax.random.randint(k_e, (2, N_EDGES), 0, N_GENES, dtype=jnp.int64)
    # glorot-uniform weight, zero bias (matches reset_parameters)
    limit = float(np.sqrt(6.0 / (D_IN + D_OUT)))
    weight = jax.random.uniform(k_w, (D_IN, D_OUT), dtype=jnp.float32, minval=-limit, maxval=limit)
    bias = jnp.zeros((D_OUT,), dtype=jnp.float32)
    return {"x": x, "edge_index": edge_index, "weight": weight, "bias": bias}


def reference(x, edge_index, weight, bias):
    # BipartiteGCN.forward: out = transpose(D_r^{-1/2} A D_c^{-1/2}) @ (x @ W) + b
    row = edge_index[0]  # gene (source) indices, 0..N_GENES
    col = edge_index[1]  # drug (target) indices, 0..N_DRUGS
    ones = jnp.ones((row.shape[0],), dtype=jnp.float32)
    rowsum = jax.ops.segment_sum(ones, row, num_segments=N_GENES)
    colsum = jax.ops.segment_sum(ones, col, num_segments=N_DRUGS)
    r_inv_sqrt = jnp.nan_to_num(jnp.power(rowsum, -0.5))
    c_inv_sqrt = jnp.nan_to_num(jnp.power(colsum, -0.5))
    xw = jnp.matmul(x, weight)  # [N_GENES, D_OUT]
    coeff = r_inv_sqrt[row] * c_inv_sqrt[col]  # [E]
    msgs = xw[row] * coeff[:, None]  # gather + scale per edge
    out = jax.ops.segment_sum(msgs, col, num_segments=N_DRUGS)  # scatter-add into drug nodes
    out = out + bias
    return out

if __name__ == "__main__":
    import jax
    _d = setup_inputs()
    print(jax.jit(kernel)(*tuple(_d.values())))

</pallas_src>

<mosaic_0001>
#map = affine_map<(d0, d1) -> (0, 0)>
#map1 = affine_map<(d0, d1) -> (0)>
#map2 = affine_map<(d0, d1) -> (0, 0, 0, 0)>
module attributes {stable_mosaic.version = 14 : i64} {
  func.func @_edge_body(%arg0: i32, %arg1: i32, %arg2: memref<10000x128xf32, #tpu.memory_space<hbm>>, %arg3: memref<320000xi32, #tpu.memory_space<hbm>>, %arg4: memref<320000xi32, #tpu.memory_space<hbm>>, %arg5: memref<625x128xf32, #tpu.memory_space<hbm>>, %arg6: memref<2x16x625x128xf32, #tpu.memory_space<hbm>>, %arg7: memref<10000x128xf32, #tpu.memory_space<vmem_shared>>, %arg8: memref<10000xi32, #tpu.memory_space<vmem>>, %arg9: memref<16xi32, #tpu.memory_space<vmem>>, %arg10: memref<104xi32, #tpu.memory_space<vmem>>, %arg11: memref<104xi32, #tpu.memory_space<vmem>>, %arg12: memref<104xi32, #tpu.memory_space<vmem>>, %arg13: memref<104x128xf32, #tpu.memory_space<vmem>>, %arg14: memref<104x128xf32, #tpu.memory_space<vmem>>, %arg15: memref<104x128xf32, #tpu.memory_space<vmem>>, %arg16: memref<!tpu.dma_semaphore, #tpu.memory_space<semaphore_mem>>, %arg17: memref<!tpu.dma_semaphore, #tpu.memory_space<semaphore_mem>>, %arg18: memref<!tpu.dma_semaphore, #tpu.memory_space<semaphore_mem>>, %arg19: memref<!tpu.dma_semaphore, #tpu.memory_space<semaphore_mem>>, %arg20: memref<!tpu.dma_semaphore, #tpu.memory_space<semaphore_mem>>, %arg21: memref<!tpu.dma_semaphore, #tpu.memory_space<semaphore_mem>>, %arg22: memref<!tpu.dma_semaphore, #tpu.memory_space<semaphore_mem>>, %arg23: memref<!tpu.dma_semaphore, #tpu.memory_space<semaphore_mem>>, %arg24: memref<!tpu.dma_semaphore, #tpu.memory_space<semaphore_mem>>) attributes {dimension_semantics = [#tpu.dimension_semantics<core_parallel>, #tpu.dimension_semantics<subcore_parallel>], iteration_bounds = array<i64: 2, 16>, scalar_prefetch = 0 : i64, scratch_operands = 18 : i64, tpu.core_type = #tpu.core_type<sc_vector_subcore>, window_params = [{transform_indices = #map}, {transform_indices = #map1}, {transform_indices = #map1}, {transform_indices = #map}, {transform_indices = #map2}]} {
    %mul3A = arith.constant 2 : i32
    %mul3A_0 = arith.muli %arg1, %mul3A : i32
    %add3A = arith.addi %mul3A_0, %arg0 : i32
    %mul3A_1 = arith.constant 10000 : i32
    %mul3A_2 = arith.muli %add3A, %mul3A_1 : i32
    %mul3A_3 = arith.constant 625 : i32
    %mul3A_4 = arith.muli %arg1, %mul3A_3 : i32
    "tpu.region"() ({
      %run_scoped3A = tpu.sem_alloc : memref<!tpu.dma_semaphore, #tpu.memory_space<semaphore_mem>>
      %dma_start3A = arith.constant 0 : i32
      %dma_start3A_20 = tpu.memref_slice %arg7[%mul3A_4, %dma_start3A] : memref<10000x128xf32, #tpu.memory_space<vmem_shared>> -> memref<625x128xf32, #tpu.memory_space<vmem_shared>>
      tpu.enqueue_dma source(%arg5 : memref<625x128xf32, #tpu.memory_space<hbm>>) target(%dma_start3A_20 : memref<625x128xf32, #tpu.memory_space<vmem_shared>>) target_semaphore(%run_scoped3A : memref<!tpu.dma_semaphore, #tpu.memory_space<semaphore_mem>>)
      %dma_wait3A_21 = arith.constant 0 : i32
      %dma_wait3A_22 = tpu.memref_slice %arg7[%mul3A_4, %dma_wait3A_21] : memref<10000x128xf32, #tpu.memory_space<vmem_shared>> -> memref<625x128xf32, #tpu.memory_space<vmem_shared>>
      tpu.wait_dma2 semaphore(%run_scoped3A : memref<!tpu.dma_semaphore, #tpu.memory_space<semaphore_mem>>) src(%arg5 : memref<625x128xf32, #tpu.memory_space<hbm>>) dst(%dma_wait3A_22 : memref<625x128xf32, #tpu.memory_space<vmem_shared>>)
      tpu.yield
    }) : () -> ()
    "tpu.region"() ({
      %run_scoped3A = tpu.sem_alloc : memref<!tpu.dma_semaphore, #tpu.memory_space<semaphore_mem>>
      %dma_start3A = tpu.memref_slice %arg3[%mul3A_2] : memref<320000xi32, #tpu.memory_space<hbm>> -> memref<10000xi32, #tpu.memory_space<hbm>>
      %dma_start3A_20 = tpu.memref_slice %arg3[%mul3A_2] : memref<320000xi32, #tpu.memory_space<hbm>> -> memref<10000xi32, #tpu.memory_space<hbm>>
      tpu.enqueue_dma source(%dma_start3A_20 : memref<10000xi32, #tpu.memory_space<hbm>>) target(%arg8 : memref<10000xi32, #tpu.memory_space<vmem>>) target_semaphore(%run_scoped3A : memref<!tpu.dma_semaphore, #tpu.memory_space<semaphore_mem>>)
      %dma_wait3A_21 = tpu.memref_slice %arg3[%mul3A_2] : memref<320000xi32, #tpu.memory_space<hbm>> -> memref<10000xi32, #tpu.memory_space<hbm>>
      %dma_wait3A_22 = tpu.memref_slice %arg3[%mul3A_2] : memref<320000xi32, #tpu.memory_space<hbm>> -> memref<10000xi32, #tpu.memory_space<hbm>>
      tpu.wait_dma2 semaphore(%run_scoped3A : memref<!tpu.dma_semaphore, #tpu.memory_space<semaphore_mem>>) src(%dma_wait3A_22 : memref<10000xi32, #tpu.memory_space<hbm>>) dst(%arg8 : memref<10000xi32, #tpu.memory_space<vmem>>)
      tpu.yield
    }) : () -> ()
    %barrier3A = arith.constant 0 : index
    tpu.barrier barrier_id(%barrier3A)
    %scan3A = arith.constant 0 : i32
    %scan3A_5 = arith.constant 32 : i32
    %scan3A_6 = arith.addi %scan3A, %scan3A_5 : i32
    %scan3A_7 = arith.constant 1 : i32
    scf.for %scan3A_20 = %scan3A to %scan3A_6 step %scan3A_7  : i32 {
      %mul3A_21 = arith.constant 1 : i32
      %mul3A_22 = arith.muli %scan3A_20, %mul3A_21 : i32
      %add3A_23 = arith.constant 0 : i32
      %add3A_24 = arith.addi %add3A_23, %mul3A_22 : i32
      %mul3A_25 = arith.constant 3 : i32
      %mul3A_26 = arith.muli %add3A_24, %mul3A_25 : i32
      %add3A_27 = arith.constant 0 : i32
      %add3A_28 = arith.addi %mul3A_26, %add3A_27 : i32
      %gt3A = arith.constant 0 : i32
      %gt3A_29 = arith.cmpi sgt, %add3A_24, %gt3A : i32
      %convert_element_type3A = arith.extui %gt3A_29 : i1 to i32
      %cond3A = arith.constant 0 : i32
      %cond3A_30 = arith.cmpi ne, %convert_element_type3A, %cond3A : i32
      scf.if %cond3A_30 {
        %dma_wait3A_135 = arith.constant 0 : i32
        %dma_wait3A_136 = arith.constant 0 : i32
        %dma_wait3A_137 = tpu.memref_slice %arg7[%dma_wait3A_135, %dma_wait3A_136] : memref<10000x128xf32, #tpu.memory_space<vmem_shared>> -> memref<10000x128xf32, #tpu.memory_space<vmem_shared>>
        tpu.wait_indirect_dma semaphore(%arg22 : memref<!tpu.dma_semaphore, #tpu.memory_space<semaphore_mem>>) src(%arg13 : memref<104x128xf32, #tpu.memory_space<vmem>>) dst(%dma_wait3A_137 : memref<10000x128xf32, #tpu.memory_space<vmem_shared>>)
      } else {
      }
      %mul3A_31 = arith.constant 104 : i32
      %mul3A_32 = arith.muli %add3A_28, %mul3A_31 : i32
      %add3A_33 = arith.addi %mul3A_2, %mul3A_32 : i32
      %dma_start3A = tpu.memref_slice %arg4[%add3A_33] : memref<320000xi32, #tpu.memory_space<hbm>> -> memref<104xi32, #tpu.memory_space<hbm>>
      %dma_start3A_34 = tpu.memref_slice %arg4[%add3A_33] : memref<320000xi32, #tpu.memory_space<hbm>> -> memref<104xi32, #tpu.memory_space<hbm>>
      tpu.enqueue_dma source(%dma_start3A_34 : memref<104xi32, #tpu.memory_space<hbm>>) target(%arg10 : memref<104xi32, #tpu.memory_space<vmem>>) target_semaphore(%arg19 : memref<!tpu.dma_semaphore, #tpu.memory_space<semaphore_mem>>)
      %mul3A_35 = arith.constant 104 : i32
      %mul3A_36 = arith.muli %add3A_28, %mul3A_35 : i32
      %dma_start3A_37 = tpu.memref_slice %arg8[%mul3A_36] : memref<10000xi32, #tpu.memory_space<vmem>> -> memref<104xi32, #tpu.memory_space<vmem>>
      %dma_start3A_38 = arith.constant 0 : i32
      %dma_start3A_39 = arith.constant 0 : i32
      %dma_start3A_40 = tpu.memref_slice %arg2[%dma_start3A_38, %dma_start3A_39] : memref<10000x128xf32, #tpu.memory_space<hbm>> -> memref<10000x128xf32, #tpu.memory_space<hbm>>
      tpu.enqueue_indirect_dma source(%dma_start3A_40 : memref<10000x128xf32, #tpu.memory_space<hbm>>) target(%arg13 : memref<104x128xf32, #tpu.memory_space<vmem>>) offsets(%dma_start3A_37 : memref<104xi32, #tpu.memory_space<vmem>>) semaphore(%arg16 : memref<!tpu.dma_semaphore, #tpu.memory_space<semaphore_mem>>)
      %mul3A_41 = arith.constant 3 : i32
      %mul3A_42 = arith.muli %add3A_24, %mul3A_41 : i32
      %add3A_43 = arith.constant 1 : i32
      %add3A_44 = arith.addi %mul3A_42, %add3A_43 : i32
      %gt3A_45 = arith.constant 0 : i32
      %gt3A_46 = arith.cmpi sgt, %add3A_24, %gt3A_45 : i32
      %convert_element_type3A_47 = arith.extui %gt3A_46 : i1 to i32
      %cond3A_48 = arith.constant 0 : i32
      %cond3A_49 = arith.cmpi ne, %convert_element_type3A_47, %cond3A_48 : i32
      scf.if %cond3A_49 {
        %dma_wait3A_135 = arith.constant 0 : i32
        %dma_wait3A_136 = arith.constant 0 : i32
        %dma_wait3A_137 = tpu.memref_slice %arg7[%dma_wait3A_135, %dma_wait3A_136] : memref<10000x128xf32, #tpu.memory_space<vmem_shared>> -> memref<10000x128xf32, #tpu.memory_space<vmem_shared>>
        tpu.wait_indirect_dma semaphore(%arg23 : memref<!tpu.dma_semaphore, #tpu.memory_space<semaphore_mem>>) src(%arg14 : memref<104x128xf32, #tpu.memory_space<vmem>>) dst(%dma_wait3A_137 : memref<10000x128xf32, #tpu.memory_space<vmem_shared>>)
      } else {
      }
      %mul3A_50 = arith.constant 104 : i32
      %mul3A_51 = arith.muli %add3A_44, %mul3A_50 : i32
      %add3A_52 = arith.addi %mul3A_2, %mul3A_51 : i32
      %dma_start3A_53 = tpu.memref_slice %arg4[%add3A_52] : memref<320000xi32, #tpu.memory_space<hbm>> -> memref<104xi32, #tpu.memory_space<hbm>>
      %dma_start3A_54 = tpu.memref_slice %arg4[%add3A_52] : memref<320000xi32, #tpu.memory_space<hbm>> -> memref<104xi32, #tpu.memory_space<hbm>>
      tpu.enqueue_dma source(%dma_start3A_54 : memref<104xi32, #tpu.memory_space<hbm>>) target(%arg11 : memref<104xi32, #tpu.memory_space<vmem>>) target_semaphore(%arg20 : memref<!tpu.dma_semaphore, #tpu.memory_space<semaphore_mem>>)
      %mul3A_55 = arith.constant 104 : i32
      %mul3A_56 = arith.muli %add3A_44, %mul3A_55 : i32
      %dma_start3A_57 = tpu.memref_slice %arg8[%mul3A_56] : memref<10000xi32, #tpu.memory_space<vmem>> -> memref<104xi32, #tpu.memory_space<vmem>>
      %dma_start3A_58 = arith.constant 0 : i32
      %dma_start3A_59 = arith.constant 0 : i32
      %dma_start3A_60 = tpu.memref_slice %arg2[%dma_start3A_58, %dma_start3A_59] : memref<10000x128xf32, #tpu.memory_space<hbm>> -> memref<10000x128xf32, #tpu.memory_space<hbm>>
      tpu.enqueue_indirect_dma source(%dma_start3A_60 : memref<10000x128xf32, #tpu.memory_space<hbm>>) target(%arg14 : memref<104x128xf32, #tpu.memory_space<vmem>>) offsets(%dma_start3A_57 : memref<104xi32, #tpu.memory_space<vmem>>) semaphore(%arg17 : memref<!tpu.dma_semaphore, #tpu.memory_space<semaphore_mem>>)
      %mul3A_61 = arith.constant 3 : i32
      %mul3A_62 = arith.muli %add3A_24, %mul3A_61 : i32
      %add3A_63 = arith.constant 2 : i32
      %add3A_64 = arith.addi %mul3A_62, %add3A_63 : i32
      %gt3A_65 = arith.constant 0 : i32
      %gt3A_66 = arith.cmpi sgt, %add3A_24, %gt3A_65 : i32
      %convert_element_type3A_67 = arith.extui %gt3A_66 : i1 to i32
      %cond3A_68 = arith.constant 0 : i32
      %cond3A_69 = arith.cmpi ne, %convert_element_type3A_67, %cond3A_68 : i32
      scf.if %cond3A_69 {
        %dma_wait3A_135 = arith.constant 0 : i32
        %dma_wait3A_136 = arith.constant 0 : i32
        %dma_wait3A_137 = tpu.memref_slice %arg7[%dma_wait3A_135, %dma_wait3A_136] : memref<10000x128xf32, #tpu.memory_space<vmem_shared>> -> memref<10000x128xf32, #tpu.memory_space<vmem_shared>>
        tpu.wait_indirect_dma semaphore(%arg24 : memref<!tpu.dma_semaphore, #tpu.memory_space<semaphore_mem>>) src(%arg15 : memref<104x128xf32, #tpu.memory_space<vmem>>) dst(%dma_wait3A_137 : memref<10000x128xf32, #tpu.memory_space<vmem_shared>>)
      } else {
      }
      %mul3A_70 = arith.constant 104 : i32
      %mul3A_71 = arith.muli %add3A_64, %mul3A_70 : i32
      %add3A_72 = arith.addi %mul3A_2, %mul3A_71 : i32
      %dma_start3A_73 = tpu.memref_slice %arg4[%add3A_72] : memref<320000xi32, #tpu.memory_space<hbm>> -> memref<104xi32, #tpu.memory_space<hbm>>
      %dma_start3A_74 = tpu.memref_slice %arg4[%add3A_72] : memref<320000xi32, #tpu.memory_space<hbm>> -> memref<104xi32, #tpu.memory_space<hbm>>
      tpu.enqueue_dma source(%dma_start3A_74 : memref<104xi32, #tpu.memory_space<hbm>>) target(%arg12 : memref<104xi32, #tpu.memory_space<vmem>>) target_semaphore(%arg21 : memref<!tpu.dma_semaphore, #tpu.memory_space<semaphore_mem>>)
      %mul3A_75 = arith.constant 104 : i32
      %mul3A_76 = arith.muli %add3A_64, %mul3A_75 : i32
      %dma_start3A_77 = tpu.memref_slice %arg8[%mul3A_76] : memref<10000xi32, #tpu.memory_space<vmem>> -> memref<104xi32, #tpu.memory_space<vmem>>
      %dma_start3A_78 = arith.constant 0 : i32
      %dma_start3A_79 = arith.constant 0 : i32
      %dma_start3A_80 = tpu.memref_slice %arg2[%dma_start3A_78, %dma_start3A_79] : memref<10000x128xf32, #tpu.memory_space<hbm>> -> memref<10000x128xf32, #tpu.memory_space<hbm>>
      tpu.enqueue_indirect_dma source(%dma_start3A_80 : memref<10000x128xf32, #tpu.memory_space<hbm>>) target(%arg15 : memref<104x128xf32, #tpu.memory_space<vmem>>) offsets(%dma_start3A_77 : memref<104xi32, #tpu.memory_space<vmem>>) semaphore(%arg18 : memref<!tpu.dma_semaphore, #tpu.memory_space<semaphore_mem>>)
      %mul3A_81 = arith.constant 3 : i32
      %mul3A_82 = arith.muli %add3A_24, %mul3A_81 : i32
      %add3A_83 = arith.constant 0 : i32
      %add3A_84 = arith.addi %mul3A_82, %add3A_83 : i32
      %mul3A_85 = arith.constant 104 : i32
      %mul3A_86 = arith.muli %add3A_84, %mul3A_85 : i32
      %dma_wait3A_87 = tpu.memref_slice %arg8[%mul3A_86] : memref<10000xi32, #tpu.memory_space<vmem>> -> memref<104xi32, #tpu.memory_space<vmem>>
      %dma_wait3A_88 = arith.constant 0 : i32
      %dma_wait3A_89 = arith.constant 0 : i32
      %dma_wait3A_90 = tpu.memref_slice %arg2[%dma_wait3A_88, %dma_wait3A_89] : memref<10000x128xf32, #tpu.memory_space<hbm>> -> memref<10000x128xf32, #tpu.memory_space<hbm>>
      tpu.wait_indirect_dma semaphore(%arg16 : memref<!tpu.dma_semaphore, #tpu.memory_space<semaphore_mem>>) src(%dma_wait3A_90 : memref<10000x128xf32, #tpu.memory_space<hbm>>) dst(%arg13 : memref<104x128xf32, #tpu.memory_space<vmem>>)
      %mul3A_91 = arith.constant 104 : i32
      %mul3A_92 = arith.muli %add3A_84, %mul3A_91 : i32
      %add3A_93 = arith.addi %mul3A_2, %mul3A_92 : i32
      %dma_wait3A_94 = tpu.memref_slice %arg4[%add3A_93] : memref<320000xi32, #tpu.memory_space<hbm>> -> memref<104xi32, #tpu.memory_space<hbm>>
      %dma_wait3A_95 = tpu.memref_slice %arg4[%add3A_93] : memref<320000xi32, #tpu.memory_space<hbm>> -> memref<104xi32, #tpu.memory_space<hbm>>
      tpu.wait_dma2 semaphore(%arg19 : memref<!tpu.dma_semaphore, #tpu.memory_space<semaphore_mem>>) src(%dma_wait3A_95 : memref<104xi32, #tpu.memory_space<hbm>>) dst(%arg10 : memref<104xi32, #tpu.memory_space<vmem>>)
      %dma_start3A_96 = arith.constant 0 : i32
      %dma_start3A_97 = arith.constant 0 : i32
      %dma_start3A_98 = tpu.memref_slice %arg7[%dma_start3A_96, %dma_start3A_97] : memref<10000x128xf32, #tpu.memory_space<vmem_shared>> -> memref<10000x128xf32, #tpu.memory_space<vmem_shared>>
      tpu.enqueue_indirect_dma source(%arg13 : memref<104x128xf32, #tpu.memory_space<vmem>>) target(%dma_start3A_98 : memref<10000x128xf32, #tpu.memory_space<vmem_shared>>) offsets(%arg10 : memref<104xi32, #tpu.memory_space<vmem>>) semaphore(%arg22 : memref<!tpu.dma_semaphore, #tpu.memory_space<semaphore_mem>>) {add = true}
      %mul3A_99 = arith.constant 3 : i32
      %mul3A_100 = arith.muli %add3A_24, %mul3A_99 : i32
      %add3A_101 = arith.constant 1 : i32
      %add3A_102 = arith.addi %mul3A_100, %add3A_101 : i32
      %mul3A_103 = arith.constant 104 : i32
      %mul3A_104 = arith.muli %add3A_102, %mul3A_103 : i32
      %dma_wait3A_105 = tpu.memref_slice %arg8[%mul3A_104] : memref<10000xi32, #tpu.memory_space<vmem>> -> memref<104xi32, #tpu.memory_space<vmem>>
      %dma_wait3A_106 = arith.constant 0 : i32
      %dma_wait3A_107 = arith.constant 0 : i32
      %dma_wait3A_108 = tpu.memref_slice %arg2[%dma_wait3A_106, %dma_wait3A_107] : memref<10000x128xf32, #tpu.memory_space<hbm>> -> memref<10000x128xf32, #tpu.memory_space<hbm>>
      tpu.wait_indirect_dma semaphore(%arg17 : memref<!tpu.dma_semaphore, #tpu.memory_space<semaphore_mem>>) src(%dma_wait3A_108 : memref<10000x128xf32, #tpu.memory_space<hbm>>) dst(%arg14 : memref<104x128xf32, #tpu.memory_space<vmem>>)
      %mul3A_109 = arith.constant 104 : i32
      %mul3A_110 = arith.muli %add3A_102, %mul3A_109 : i32
      %add3A_111 = arith.addi %mul3A_2, %mul3A_110 : i32
      %dma_wait3A_112 = tpu.memref_slice %arg4[%add3A_111] : memref<320000xi32, #tpu.memory_space<hbm>> -> memref<104xi32, #tpu.memory_space<hbm>>
      %dma_wait3A_113 = tpu.memref_slice %arg4[%add3A_111] : memref<320000xi32, #tpu.memory_space<hbm>> -> memref<104xi32, #tpu.memory_space<hbm>>
      tpu.wait_dma2 semaphore(%arg20 : memref<!tpu.dma_semaphore, #tpu.memory_space<semaphore_mem>>) src(%dma_wait3A_113 : memref<104xi32, #tpu.memory_space<hbm>>) dst(%arg11 : memref<104xi32, #tpu.memory_space<vmem>>)
      %dma_start3A_114 = arith.constant 0 : i32
      %dma_start3A_115 = arith.constant 0 : i32
      %dma_start3A_116 = tpu.memref_slice %arg7[%dma_start3A_114, %dma_start3A_115] : memref<10000x128xf32, #tpu.memory_space<vmem_shared>> -> memref<10000x128xf32, #tpu.memory_space<vmem_shared>>
      tpu.enqueue_indirect_dma source(%arg14 : memref<104x128xf32, #tpu.memory_space<vmem>>) target(%dma_start3A_116 : memref<10000x128xf32, #tpu.memory_space<vmem_shared>>) offsets(%arg11 : memref<104xi32, #tpu.memory_space<vmem>>) semaphore(%arg23 : memref<!tpu.dma_semaphore, #tpu.memory_space<semaphore_mem>>) {add = true}
      %mul3A_117 = arith.constant 3 : i32
      %mul3A_118 = arith.muli %add3A_24, %mul3A_117 : i32
      %add3A_119 = arith.constant 2 : i32
      %add3A_120 = arith.addi %mul3A_118, %add3A_119 : i32
      %mul3A_121 = arith.constant 104 : i32
      %mul3A_122 = arith.muli %add3A_120, %mul3A_121 : i32
      %dma_wait3A_123 = tpu.memref_slice %arg8[%mul3A_122] : memref<10000xi32, #tpu.memory_space<vmem>> -> memref<104xi32, #tpu.memory_space<vmem>>
      %dma_wait3A_124 = arith.constant 0 : i32
      %dma_wait3A_125 = arith.constant 0 : i32
      %dma_wait3A_126 = tpu.memref_slice %arg2[%dma_wait3A_124, %dma_wait3A_125] : memref<10000x128xf32, #tpu.memory_space<hbm>> -> memref<10000x128xf32, #tpu.memory_space<hbm>>
      tpu.wait_indirect_dma semaphore(%arg18 : memref<!tpu.dma_semaphore, #tpu.memory_space<semaphore_mem>>) src(%dma_wait3A_126 : memref<10000x128xf32, #tpu.memory_space<hbm>>) dst(%arg15 : memref<104x128xf32, #tpu.memory_space<vmem>>)
      %mul3A_127 = arith.constant 104 : i32
      %mul3A_128 = arith.muli %add3A_120, %mul3A_127 : i32
      %add3A_129 = arith.addi %mul3A_2, %mul3A_128 : i32
      %dma_wait3A_130 = tpu.memref_slice %arg4[%add3A_129] : memref<320000xi32, #tpu.memory_space<hbm>> -> memref<104xi32, #tpu.memory_space<hbm>>
      %dma_wait3A_131 = tpu.memref_slice %arg4[%add3A_129] : memref<320000xi32, #tpu.memory_space<hbm>> -> memref<104xi32, #tpu.memory_space<hbm>>
      tpu.wait_dma2 semaphore(%arg21 : memref<!tpu.dma_semaphore, #tpu.memory_space<semaphore_mem>>) src(%dma_wait3A_131 : memref<104xi32, #tpu.memory_space<hbm>>) dst(%arg12 : memref<104xi32, #tpu.memory_space<vmem>>)
      %dma_start3A_132 = arith.constant 0 : i32
      %dma_start3A_133 = arith.constant 0 : i32
      %dma_start3A_134 = tpu.memref_slice %arg7[%dma_start3A_132, %dma_start3A_133] : memref<10000x128xf32, #tpu.memory_space<vmem_shared>> -> memref<10000x128xf32, #tpu.memory_space<vmem_shared>>
      tpu.enqueue_indirect_dma source(%arg15 : memref<104x128xf32, #tpu.memory_space<vmem>>) target(%dma_start3A_134 : memref<10000x128xf32, #tpu.memory_space<vmem_shared>>) offsets(%arg12 : memref<104xi32, #tpu.memory_space<vmem>>) semaphore(%arg24 : memref<!tpu.dma_semaphore, #tpu.memory_space<semaphore_mem>>) {add = true}
    }
    %scan3A_8 = arith.constant 32 : i32
    %dma_wait3A = arith.constant 0 : i32
    %dma_wait3A_9 = arith.constant 0 : i32
    %dma_wait3A_10 = tpu.memref_slice %arg7[%dma_wait3A, %dma_wait3A_9] : memref<10000x128xf32, #tpu.memory_space<vmem_shared>> -> memref<10000x128xf32, #tpu.memory_space<vmem_shared>>
    tpu.wait_indirect_dma semaphore(%arg22 : memref<!tpu.dma_semaphore, #tpu.memory_space<semaphore_mem>>) src(%arg13 : memref<104x128xf32, #tpu.memory_space<vmem>>) dst(%dma_wait3A_10 : memref<10000x128xf32, #tpu.memory_space<vmem_shared>>)
    %dma_wait3A_11 = arith.constant 0 : i32
    %dma_wait3A_12 = arith.constant 0 : i32
    %dma_wait3A_13 = tpu.memref_slice %arg7[%dma_wait3A_11, %dma_wait3A_12] : memref<10000x128xf32, #tpu.memory_space<vmem_shared>> -> memref<10000x128xf32, #tpu.memory_space<vmem_shared>>
    tpu.wait_indirect_dma semaphore(%arg23 : memref<!tpu.dma_semaphore, #tpu.memory_space<semaphore_mem>>) src(%arg14 : memref<104x128xf32, #tpu.memory_space<vmem>>) dst(%dma_wait3A_13 : memref<10000x128xf32, #tpu.memory_space<vmem_shared>>)
    %dma_wait3A_14 = arith.constant 0 : i32
    %dma_wait3A_15 = arith.constant 0 : i32
    %dma_wait3A_16 = tpu.memref_slice %arg7[%dma_wait3A_14, %dma_wait3A_15] : memref<10000x128xf32, #tpu.memory_space<vmem_shared>> -> memref<10000x128xf32, #tpu.memory_space<vmem_shared>>
    tpu.wait_indirect_dma semaphore(%arg24 : memref<!tpu.dma_semaphore, #tpu.memory_space<semaphore_mem>>) src(%arg15 : memref<104x128xf32, #tpu.memory_space<vmem>>) dst(%dma_wait3A_16 : memref<10000x128xf32, #tpu.memory_space<vmem_shared>>)
    %add3A_17 = arith.constant 9984 : i32
    %add3A_18 = arith.addi %mul3A_2, %add3A_17 : i32
    "tpu.region"() ({
      %run_scoped3A = tpu.sem_alloc : memref<!tpu.dma_semaphore, #tpu.memory_space<semaphore_mem>>
      %dma_start3A = tpu.memref_slice %arg4[%add3A_18] : memref<320000xi32, #tpu.memory_space<hbm>> -> memref<16xi32, #tpu.memory_space<hbm>>
      %dma_start3A_20 = tpu.memref_slice %arg4[%add3A_18] : memref<320000xi32, #tpu.memory_space<hbm>> -> memref<16xi32, #tpu.memory_space<hbm>>
      tpu.enqueue_dma source(%dma_start3A_20 : memref<16xi32, #tpu.memory_space<hbm>>) target(%arg9 : memref<16xi32, #tpu.memory_space<vmem>>) target_semaphore(%run_scoped3A : memref<!tpu.dma_semaphore, #tpu.memory_space<semaphore_mem>>)
      %dma_wait3A_21 = tpu.memref_slice %arg4[%add3A_18] : memref<320000xi32, #tpu.memory_space<hbm>> -> memref<16xi32, #tpu.memory_space<hbm>>
      %dma_wait3A_22 = tpu.memref_slice %arg4[%add3A_18] : memref<320000xi32, #tpu.memory_space<hbm>> -> memref<16xi32, #tpu.memory_space<hbm>>
      tpu.wait_dma2 semaphore(%run_scoped3A : memref<!tpu.dma_semaphore, #tpu.memory_space<semaphore_mem>>) src(%dma_wait3A_22 : memref<16xi32, #tpu.memory_space<hbm>>) dst(%arg9 : memref<16xi32, #tpu.memory_space<vmem>>)
      tpu.yield
    }) : () -> ()
    "tpu.region"() ({
      %run_scoped3A = tpu.sem_alloc : memref<!tpu.dma_semaphore, #tpu.memory_space<semaphore_mem>>
      %dma_start3A = arith.constant 0 : i32
      %dma_start3A_20 = arith.constant 0 : i32
      %dma_start3A_21 = tpu.memref_slice %arg13[%dma_start3A, %dma_start3A_20] : memref<104x128xf32, #tpu.memory_space<vmem>> -> memref<16x128xf32, #tpu.memory_space<vmem>>
      %dma_start3A_22 = arith.constant 9984 : i32
      %dma_start3A_23 = tpu.memref_slice %arg8[%dma_start3A_22] : memref<10000xi32, #tpu.memory_space<vmem>> -> memref<16xi32, #tpu.memory_space<vmem>>
      %dma_start3A_24 = arith.constant 0 : i32
      %dma_start3A_25 = arith.constant 0 : i32
      %dma_start3A_26 = tpu.memref_slice %arg2[%dma_start3A_24, %dma_start3A_25] : memref<10000x128xf32, #tpu.memory_space<hbm>> -> memref<10000x128xf32, #tpu.memory_space<hbm>>
      tpu.enqueue_indirect_dma source(%dma_start3A_26 : memref<10000x128xf32, #tpu.memory_space<hbm>>) target(%dma_start3A_21 : memref<16x128xf32, #tpu.memory_space<vmem>>) offsets(%dma_start3A_23 : memref<16xi32, #tpu.memory_space<vmem>>) semaphore(%run_scoped3A : memref<!tpu.dma_semaphore, #tpu.memory_space<semaphore_mem>>)
      %dma_wait3A_27 = arith.constant 0 : i32
      %dma_wait3A_28 = arith.constant 0 : i32
      %dma_wait3A_29 = tpu.memref_slice %arg13[%dma_wait3A_27, %dma_wait3A_28] : memref<104x128xf32, #tpu.memory_space<vmem>> -> memref<16x128xf32, #tpu.memory_space<vmem>>
      %dma_wait3A_30 = arith.constant 9984 : i32
      %dma_wait3A_31 = tpu.memref_slice %arg8[%dma_wait3A_30] : memref<10000xi32, #tpu.memory_space<vmem>> -> memref<16xi32, #tpu.memory_space<vmem>>
      %dma_wait3A_32 = arith.constant 0 : i32
      %dma_wait3A_33 = arith.constant 0 : i32
      %dma_wait3A_34 = tpu.memref_slice %arg2[%dma_wait3A_32, %dma_wait3A_33] : memref<10000x128xf32, #tpu.memory_space<hbm>> -> memref<10000x128xf32, #tpu.memory_space<hbm>>
      tpu.wait_indirect_dma semaphore(%run_scoped3A : memref<!tpu.dma_semaphore, #tpu.memory_space<semaphore_mem>>) src(%dma_wait3A_34 : memref<10000x128xf32, #tpu.memory_space<hbm>>) dst(%dma_wait3A_29 : memref<16x128xf32, #tpu.memory_space<vmem>>)
      tpu.yield
    }) : () -> ()
    "tpu.region"() ({
      %run_scoped3A = tpu.sem_alloc : memref<!tpu.dma_semaphore, #tpu.memory_space<semaphore_mem>>
      %dma_start3A = arith.constant 0 : i32
      %dma_start3A_20 = arith.constant 0 : i32
      %dma_start3A_21 = tpu.memref_slice %arg13[%dma_start3A, %dma_start3A_20] : memref<104x128xf32, #tpu.memory_space<vmem>> -> memref<16x128xf32, #tpu.memory_space<vmem>>
      %dma_start3A_22 = arith.constant 0 : i32
      %dma_start3A_23 = arith.constant 0 : i32
      %dma_start3A_24 = tpu.memref_slice %arg7[%dma_start3A_22, %dma_start3A_23] : memref<10000x128xf32, #tpu.memory_space<vmem_shared>> -> memref<10000x128xf32, #tpu.memory_space<vmem_shared>>
      tpu.enqueue_indirect_dma source(%dma_start3A_21 : memref<16x128xf32, #tpu.memory_space<vmem>>) target(%dma_start3A_24 : memref<10000x128xf32, #tpu.memory_space<vmem_shared>>) offsets(%arg9 : memref<16xi32, #tpu.memory_space<vmem>>) semaphore(%run_scoped3A : memref<!tpu.dma_semaphore, #tpu.memory_space<semaphore_mem>>) {add = true}
      %dma_wait3A_25 = arith.constant 0 : i32
      %dma_wait3A_26 = arith.constant 0 : i32
      %dma_wait3A_27 = tpu.memref_slice %arg13[%dma_wait3A_25, %dma_wait3A_26] : memref<104x128xf32, #tpu.memory_space<vmem>> -> memref<16x128xf32, #tpu.memory_space<vmem>>
      %dma_wait3A_28 = arith.constant 0 : i32
      %dma_wait3A_29 = arith.constant 0 : i32
      %dma_wait3A_30 = tpu.memref_slice %arg7[%dma_wait3A_28, %dma_wait3A_29] : memref<10000x128xf32, #tpu.memory_space<vmem_shared>> -> memref<10000x128xf32, #tpu.memory_space<vmem_shared>>
      tpu.wait_indirect_dma semaphore(%run_scoped3A : memref<!tpu.dma_semaphore, #tpu.memory_space<semaphore_mem>>) src(%dma_wait3A_27 : memref<16x128xf32, #tpu.memory_space<vmem>>) dst(%dma_wait3A_30 : memref<10000x128xf32, #tpu.memory_space<vmem_shared>>)
      tpu.yield
    }) : () -> ()
    %barrier3A_19 = arith.constant 0 : index
    tpu.barrier barrier_id(%barrier3A_19)
    "tpu.region"() ({
      %run_scoped3A = tpu.sem_alloc : memref<!tpu.dma_semaphore, #tpu.memory_space<semaphore_mem>>
      %dma_start3A = arith.constant 0 : i32
      %dma_start3A_20 = arith.constant 0 : i32
      %dma_start3A_21 = tpu.memref_slice %arg6[%arg0, %arg1, %dma_start3A, %dma_start3A_20] : memref<2x16x625x128xf32, #tpu.memory_space<hbm>> -> memref<1x1x625x128xf32, #tpu.memory_space<hbm>>
      %dma_start3A_22 = tpu.memref_squeeze %dma_start3A_21 : memref<1x1x625x128xf32, #tpu.memory_space<hbm>> -> memref<625x128xf32, #tpu.memory_space<hbm>>
      %dma_start3A_23 = arith.constant 0 : i32
      %dma_start3A_24 = tpu.memref_slice %arg7[%mul3A_4, %dma_start3A_23] : memref<10000x128xf32, #tpu.memory_space<vmem_shared>> -> memref<625x128xf32, #tpu.memory_space<vmem_shared>>
      tpu.enqueue_dma source(%dma_start3A_24 : memref<625x128xf32, #tpu.memory_space<vmem_shared>>) target(%dma_start3A_22 : memref<625x128xf32, #tpu.memory_space<hbm>>) target_semaphore(%run_scoped3A : memref<!tpu.dma_semaphore, #tpu.memory_space<semaphore_mem>>)
      %dma_wait3A_25 = arith.constant 0 : i32
      %dma_wait3A_26 = arith.constant 0 : i32
      %dma_wait3A_27 = tpu.memref_slice %arg6[%arg0, %arg1, %dma_wait3A_25, %dma_wait3A_26] : memref<2x16x625x128xf32, #tpu.memory_space<hbm>> -> memref<1x1x625x128xf32, #tpu.memory_space<hbm>>
      %dma_wait3A_28 = tpu.memref_squeeze %dma_wait3A_27 : memref<1x1x625x128xf32, #tpu.memory_space<hbm>> -> memref<625x128xf32, #tpu.memory_space<hbm>>
      %dma_wait3A_29 = arith.constant 0 : i32
      %dma_wait3A_30 = tpu.memref_slice %arg7[%mul3A_4, %dma_wait3A_29] : memref<10000x128xf32, #tpu.memory_space<vmem_shared>> -> memref<625x128xf32, #tpu.memory_space<vmem_shared>>
      tpu.wait_dma2 semaphore(%run_scoped3A : memref<!tpu.dma_semaphore, #tpu.memory_space<semaphore_mem>>) src(%dma_wait3A_30 : memref<625x128xf32, #tpu.memory_space<vmem_shared>>) dst(%dma_wait3A_28 : memref<625x128xf32, #tpu.memory_space<hbm>>)
      tpu.yield
    }) : () -> ()
    return
  }
}

#map = affine_map<(d0, d1) -> (0)>
#map1 = affine_map<(d0, d1) -> (0, 0, 0, 0, 0)>
module attributes {stable_mosaic.version = 14 : i64} {
  func.func @_hist_body(%arg0: i32, %arg1: i32, %arg2: memref<320000xi32, #tpu.memory_space<hbm>>, %arg3: memref<320000xi32, #tpu.memory_space<hbm>>, %arg4: memref<2x16x2x80x128xf32, #tpu.memory_space<hbm>>, %arg5: memref<10240xf32, #tpu.memory_space<vmem>>, %arg6: memref<10240xf32, #tpu.memory_space<vmem>>, %arg7: memref<10000xi32, #tpu.memory_space<vmem>>, %arg8: memref<10000xi32, #tpu.memory_space<vmem>>, %arg9: memref<80x128xf32, #tpu.memory_space<vmem>>) attributes {dimension_semantics = [#tpu.dimension_semantics<core_parallel>, #tpu.dimension_semantics<subcore_parallel>], iteration_bounds = array<i64: 2, 16>, scalar_prefetch = 0 : i64, scratch_operands = 5 : i64, tpu.core_type = #tpu.core_type<sc_vector_subcore>, window_params = [{transform_indices = #map}, {transform_indices = #map}, {transform_indices = #map1}]} {
    %mul3A = arith.constant 2 : i32
    %mul3A_0 = arith.muli %arg1, %mul3A : i32
    %add3A = arith.addi %mul3A_0, %arg0 : i32
    %mul3A_1 = arith.constant 10000 : i32
    %mul3A_2 = arith.muli %add3A, %mul3A_1 : i32
    %broadcast_in_dim3A = arith.constant 0.000000e+00 : f32
    %broadcast_in_dim3A_3 = vector.broadcast %broadcast_in_dim3A : f32 to vector<16xf32>
    %scan3A = arith.constant 0 : i32
    %scan3A_4 = arith.constant 640 : i32
    %scan3A_5 = arith.addi %scan3A, %scan3A_4 : i32
    %scan3A_6 = arith.constant 1 : i32
    scf.for %scan3A_24 = %scan3A to %scan3A_5 step %scan3A_6  : i32 {
      %mul3A_25 = arith.constant 1 : i32
      %mul3A_26 = arith.muli %scan3A_24, %mul3A_25 : i32
      %add3A_27 = arith.constant 0 : i32
      %add3A_28 = arith.addi %add3A_27, %mul3A_26 : i32
      %mul3A_29 = arith.constant 16 : i32
      %mul3A_30 = arith.muli %add3A_28, %mul3A_29 : i32
      %swap3A = arith.index_cast %mul3A_30 : i32 to index
      %swap3A_31 = tpu.vector_load %arg5[%swap3A] {strides = array<i32>} : memref<10240xf32, #tpu.memory_space<vmem>>, vector<16xf32>,
      tpu.vector_store %arg5[%swap3A], %broadcast_in_dim3A_3 {strides = array<i32>} : memref<10240xf32, #tpu.memory_space<vmem>>, vector<16xf32>,
      %mul3A_32 = arith.constant 16 : i32
      %mul3A_33 = arith.muli %add3A_28, %mul3A_32 : i32
      %swap3A_34 = arith.index_cast %mul3A_33 : i32 to index
      %swap3A_35 = tpu.vector_load %arg6[%swap3A_34] {strides = array<i32>} : memref<10240xf32, #tpu.memory_space<vmem>>, vector<16xf32>,
      tpu.vector_store %arg6[%swap3A_34], %broadcast_in_dim3A_3 {strides = array<i32>} : memref<10240xf32, #tpu.memory_space<vmem>>, vector<16xf32>,
    }
    %scan3A_7 = arith.constant 640 : i32
    "tpu.region"() ({
      %run_scoped3A_24 = tpu.sem_alloc : memref<!tpu.dma_semaphore, #tpu.memory_space<semaphore_mem>>
      %dma_start3A = tpu.memref_slice %arg2[%mul3A_2] : memref<320000xi32, #tpu.memory_space<hbm>> -> memref<10000xi32, #tpu.memory_space<hbm>>
      %dma_start3A_25 = tpu.memref_slice %arg2[%mul3A_2] : memref<320000xi32, #tpu.memory_space<hbm>> -> memref<10000xi32, #tpu.memory_space<hbm>>
      tpu.enqueue_dma source(%dma_start3A_25 : memref<10000xi32, #tpu.memory_space<hbm>>) target(%arg7 : memref<10000xi32, #tpu.memory_space<vmem>>) target_semaphore(%run_scoped3A_24 : memref<!tpu.dma_semaphore, #tpu.memory_space<semaphore_mem>>)
      %dma_wait3A = tpu.memref_slice %arg2[%mul3A_2] : memref<320000xi32, #tpu.memory_space<hbm>> -> memref<10000xi32, #tpu.memory_space<hbm>>
      %dma_wait3A_26 = tpu.memref_slice %arg2[%mul3A_2] : memref<320000xi32, #tpu.memory_space<hbm>> -> memref<10000xi32, #tpu.memory_space<hbm>>
      tpu.wait_dma2 semaphore(%run_scoped3A_24 : memref<!tpu.dma_semaphore, #tpu.memory_space<semaphore_mem>>) src(%dma_wait3A_26 : memref<10000xi32, #tpu.memory_space<hbm>>) dst(%arg7 : memref<10000xi32, #tpu.memory_space<vmem>>)
      tpu.yield
    }) : () -> ()
    "tpu.region"() ({
      %run_scoped3A_24 = tpu.sem_alloc : memref<!tpu.dma_semaphore, #tpu.memory_space<semaphore_mem>>
      %dma_start3A = tpu.memref_slice %arg3[%mul3A_2] : memref<320000xi32, #tpu.memory_space<hbm>> -> memref<10000xi32, #tpu.memory_space<hbm>>
      %dma_start3A_25 = tpu.memref_slice %arg3[%mul3A_2] : memref<320000xi32, #tpu.memory_space<hbm>> -> memref<10000xi32, #tpu.memory_space<hbm>>
      tpu.enqueue_dma source(%dma_start3A_25 : memref<10000xi32, #tpu.memory_space<hbm>>) target(%arg8 : memref<10000xi32, #tpu.memory_space<vmem>>) target_semaphore(%run_scoped3A_24 : memref<!tpu.dma_semaphore, #tpu.memory_space<semaphore_mem>>)
      %dma_wait3A = tpu.memref_slice %arg3[%mul3A_2] : memref<320000xi32, #tpu.memory_space<hbm>> -> memref<10000xi32, #tpu.memory_space<hbm>>
      %dma_wait3A_26 = tpu.memref_slice %arg3[%mul3A_2] : memref<320000xi32, #tpu.memory_space<hbm>> -> memref<10000xi32, #tpu.memory_space<hbm>>
      tpu.wait_dma2 semaphore(%run_scoped3A_24 : memref<!tpu.dma_semaphore, #tpu.memory_space<semaphore_mem>>) src(%dma_wait3A_26 : memref<10000xi32, #tpu.memory_space<hbm>>) dst(%arg8 : memref<10000xi32, #tpu.memory_space<vmem>>)
      tpu.yield
    }) : () -> ()
    %scan3A_8 = arith.constant 0 : i32
    %scan3A_9 = arith.constant 625 : i32
    %scan3A_10 = arith.addi %scan3A_8, %scan3A_9 : i32
    %scan3A_11 = arith.constant 1 : i32
    scf.for %scan3A_24 = %scan3A_8 to %scan3A_10 step %scan3A_11  : i32 {
      %mul3A_25 = arith.constant 1 : i32
      %mul3A_26 = arith.muli %scan3A_24, %mul3A_25 : i32
      %add3A_27 = arith.constant 0 : i32
      %add3A_28 = arith.addi %add3A_27, %mul3A_26 : i32
      %mul3A_29 = arith.constant 16 : i32
      %mul3A_30 = arith.muli %add3A_28, %mul3A_29 : i32
      %get3A = arith.index_cast %mul3A_30 : i32 to index
      %get3A_31 = tpu.vector_load %arg7[%get3A] {strides = array<i32>} : memref<10000xi32, #tpu.memory_space<vmem>>, vector<16xi32>,
      %broadcast_in_dim3A_32 = arith.constant true
      %broadcast_in_dim3A_33 = vector.broadcast %broadcast_in_dim3A_32 : i1 to vector<16xi1>
      %unique3A, %unique3A_34 = tpu.scan_count mask(%broadcast_in_dim3A_33 : vector<16xi1>) value(%get3A_31 : vector<16xi32>) : vector<16xi1>, vector<16xi32>
      %convert_element_type3A = arith.sitofp %unique3A_34 : vector<16xi32> to vector<16xf32>
      tpu.vector_store_idx %arg5[%get3A_31], %convert_element_type3A masked %unique3A {add = true} : memref<10240xf32, #tpu.memory_space<vmem>>[vector<16xi32>], vector<16xf32>, vector<16xi1>
      %mul3A_35 = arith.constant 16 : i32
      %mul3A_36 = arith.muli %add3A_28, %mul3A_35 : i32
      %get3A_37 = arith.index_cast %mul3A_36 : i32 to index
      %get3A_38 = tpu.vector_load %arg8[%get3A_37] {strides = array<i32>} : memref<10000xi32, #tpu.memory_space<vmem>>, vector<16xi32>,
      %broadcast_in_dim3A_39 = arith.constant true
      %broadcast_in_dim3A_40 = vector.broadcast %broadcast_in_dim3A_39 : i1 to vector<16xi1>
      %unique3A_41, %unique3A_42 = tpu.scan_count mask(%broadcast_in_dim3A_40 : vector<16xi1>) value(%get3A_38 : vector<16xi32>) : vector<16xi1>, vector<16xi32>
      %convert_element_type3A_43 = arith.sitofp %unique3A_42 : vector<16xi32> to vector<16xf32>
      tpu.vector_store_idx %arg6[%get3A_38], %convert_element_type3A_43 masked %unique3A_41 {add = true} : memref<10240xf32, #tpu.memory_space<vmem>>[vector<16xi32>], vector<16xf32>, vector<16xi1>
    }
    %scan3A_12 = arith.constant 625 : i32
    %scan3A_13 = arith.constant 0 : i32
    %scan3A_14 = arith.constant 80 : i32
    %scan3A_15 = arith.addi %scan3A_13, %scan3A_14 : i32
    %scan3A_16 = arith.constant 1 : i32
    scf.for %scan3A_24 = %scan3A_13 to %scan3A_15 step %scan3A_16  : i32 {
      %mul3A_25 = arith.constant 1 : i32
      %mul3A_26 = arith.muli %scan3A_24, %mul3A_25 : i32
      %add3A_27 = arith.constant 0 : i32
      %add3A_28 = arith.addi %add3A_27, %mul3A_26 : i32
      %mul3A_29 = arith.constant 8 : i32
      %mul3A_30 = arith.muli %add3A_28, %mul3A_29 : i32
      %add3A_31 = arith.constant 0 : i32
      %add3A_32 = arith.addi %mul3A_30, %add3A_31 : i32
      %mul3A_33 = arith.constant 16 : i32
      %mul3A_34 = arith.muli %add3A_32, %mul3A_33 : i32
      %get3A = arith.index_cast %mul3A_34 : i32 to index
      %get3A_35 = tpu.vector_load %arg5[%get3A] {strides = array<i32>} : memref<10240xf32, #tpu.memory_space<vmem>>, vector<16xf32>,
      %swap3A = arith.index_cast %add3A_28 : i32 to index
      %swap3A_36 = arith.constant 0 : index
      %swap3A_37 = tpu.vector_load %arg9[%swap3A, %swap3A_36] {strides = array<i32>} : memref<80x128xf32, #tpu.memory_space<vmem>>, vector<16xf32>,
      tpu.vector_store %arg9[%swap3A, %swap3A_36], %get3A_35 {strides = array<i32>} : memref<80x128xf32, #tpu.memory_space<vmem>>, vector<16xf32>,
      %mul3A_38 = arith.constant 8 : i32
      %mul3A_39 = arith.muli %add3A_28, %mul3A_38 : i32
      %add3A_40 = arith.constant 1 : i32
      %add3A_41 = arith.addi %mul3A_39, %add3A_40 : i32
      %mul3A_42 = arith.constant 16 : i32
      %mul3A_43 = arith.muli %add3A_41, %mul3A_42 : i32
      %get3A_44 = arith.index_cast %mul3A_43 : i32 to index
      %get3A_45 = tpu.vector_load %arg5[%get3A_44] {strides = array<i32>} : memref<10240xf32, #tpu.memory_space<vmem>>, vector<16xf32>,
      %swap3A_46 = arith.index_cast %add3A_28 : i32 to index
      %swap3A_47 = arith.constant 16 : index
      %swap3A_48 = tpu.vector_load %arg9[%swap3A_46, %swap3A_47] {strides = array<i32>} : memref<80x128xf32, #tpu.memory_space<vmem>>, vector<16xf32>,
      tpu.vector_store %arg9[%swap3A_46, %swap3A_47], %get3A_45 {strides = array<i32>} : memref<80x128xf32, #tpu.memory_space<vmem>>, vector<16xf32>,
      %mul3A_49 = arith.constant 8 : i32
      %mul3A_50 = arith.muli %add3A_28, %mul3A_49 : i32
      %add3A_51 = arith.constant 2 : i32
      %add3A_52 = arith.addi %mul3A_50, %add3A_51 : i32
      %mul3A_53 = arith.constant 16 : i32
      %mul3A_54 = arith.muli %add3A_52, %mul3A_53 : i32
      %get3A_55 = arith.index_cast %mul3A_54 : i32 to index
      %get3A_56 = tpu.vector_load %arg5[%get3A_55] {strides = array<i32>} : memref<10240xf32, #tpu.memory_space<vmem>>, vector<16xf32>,
      %swap3A_57 = arith.index_cast %add3A_28 : i32 to index
      %swap3A_58 = arith.constant 32 : index
      %swap3A_59 = tpu.vector_load %arg9[%swap3A_57, %swap3A_58] {strides = array<i32>} : memref<80x128xf32, #tpu.memory_space<vmem>>, vector<16xf32>,
      tpu.vector_store %arg9[%swap3A_57, %swap3A_58], %get3A_56 {strides = array<i32>} : memref<80x128xf32, #tpu.memory_space<vmem>>, vector<16xf32>,
      %mul3A_60 = arith.constant 8 : i32
      %mul3A_61 = arith.muli %add3A_28, %mul3A_60 : i32
      %add3A_62 = arith.constant 3 : i32
      %add3A_63 = arith.addi %mul3A_61, %add3A_62 : i32
      %mul3A_64 = arith.constant 16 : i32
      %mul3A_65 = arith.muli %add3A_63, %mul3A_64 : i32
      %get3A_66 = arith.index_cast %mul3A_65 : i32 to index
      %get3A_67 = tpu.vector_load %arg5[%get3A_66] {strides = array<i32>} : memref<10240xf32, #tpu.memory_space<vmem>>, vector<16xf32>,
      %swap3A_68 = arith.index_cast %add3A_28 : i32 to index
      %swap3A_69 = arith.constant 48 : index
      %swap3A_70 = tpu.vector_load %arg9[%swap3A_68, %swap3A_69] {strides = array<i32>} : memref<80x128xf32, #tpu.memory_space<vmem>>, vector<16xf32>,
      tpu.vector_store %arg9[%swap3A_68, %swap3A_69], %get3A_67 {strides = array<i32>} : memref<80x128xf32, #tpu.memory_space<vmem>>, vector<16xf32>,
      %mul3A_71 = arith.constant 8 : i32
      %mul3A_72 = arith.muli %add3A_28, %mul3A_71 : i32
      %add3A_73 = arith.constant 4 : i32
      %add3A_74 = arith.addi %mul3A_72, %add3A_73 : i32
      %mul3A_75 = arith.constant 16 : i32
      %mul3A_76 = arith.muli %add3A_74, %mul3A_75 : i32
      %get3A_77 = arith.index_cast %mul3A_76 : i32 to index
      %get3A_78 = tpu.vector_load %arg5[%get3A_77] {strides = array<i32>} : memref<10240xf32, #tpu.memory_space<vmem>>, vector<16xf32>,
      %swap3A_79 = arith.index_cast %add3A_28 : i32 to index
      %swap3A_80 = arith.constant 64 : index
      %swap3A_81 = tpu.vector_load %arg9[%swap3A_79, %swap3A_80] {strides = array<i32>} : memref<80x128xf32, #tpu.memory_space<vmem>>, vector<16xf32>,
      tpu.vector_store %arg9[%swap3A_79, %swap3A_80], %get3A_78 {strides = array<i32>} : memref<80x128xf32, #tpu.memory_space<vmem>>, vector<16xf32>,
      %mul3A_82 = arith.constant 8 : i32
      %mul3A_83 = arith.muli %add3A_28, %mul3A_82 : i32
      %add3A_84 = arith.constant 5 : i32
      %add3A_85 = arith.addi %mul3A_83, %add3A_84 : i32
      %mul3A_86 = arith.constant 16 : i32
      %mul3A_87 = arith.muli %add3A_85, %mul3A_86 : i32
      %get3A_88 = arith.index_cast %mul3A_87 : i32 to index
      %get3A_89 = tpu.vector_load %arg5[%get3A_88] {strides = array<i32>} : memref<10240xf32, #tpu.memory_space<vmem>>, vector<16xf32>,
      %swap3A_90 = arith.index_cast %add3A_28 : i32 to index
      %swap3A_91 = arith.constant 80 : index
      %swap3A_92 = tpu.vector_load %arg9[%swap3A_90, %swap3A_91] {strides = array<i32>} : memref<80x128xf32, #tpu.memory_space<vmem>>, vector<16xf32>,
      tpu.vector_store %arg9[%swap3A_90, %swap3A_91], %get3A_89 {strides = array<i32>} : memref<80x128xf32, #tpu.memory_space<vmem>>, vector<16xf32>,
      %mul3A_93 = arith.constant 8 : i32
      %mul3A_94 = arith.muli %add3A_28, %mul3A_93 : i32
      %add3A_95 = arith.constant 6 : i32
      %add3A_96 = arith.addi %mul3A_94, %add3A_95 : i32
      %mul3A_97 = arith.constant 16 : i32
      %mul3A_98 = arith.muli %add3A_96, %mul3A_97 : i32
      %get3A_99 = arith.index_cast %mul3A_98 : i32 to index
      %get3A_100 = tpu.vector_load %arg5[%get3A_99] {strides = array<i32>} : memref<10240xf32, #tpu.memory_space<vmem>>, vector<16xf32>,
      %swap3A_101 = arith.index_cast %add3A_28 : i32 to index
      %swap3A_102 = arith.constant 96 : index
      %swap3A_103 = tpu.vector_load %arg9[%swap3A_101, %swap3A_102] {strides = array<i32>} : memref<80x128xf32, #tpu.memory_space<vmem>>, vector<16xf32>,
      tpu.vector_store %arg9[%swap3A_101, %swap3A_102], %get3A_100 {strides = array<i32>} : memref<80x128xf32, #tpu.memory_space<vmem>>, vector<16xf32>,
      %mul3A_104 = arith.constant 8 : i32
      %mul3A_105 = arith.muli %add3A_28, %mul3A_104 : i32
      %add3A_106 = arith.constant 7 : i32
      %add3A_107 = arith.addi %mul3A_105, %add3A_106 : i32
      %mul3A_108 = arith.constant 16 : i32
      %mul3A_109 = arith.muli %add3A_107, %mul3A_108 : i32
      %get3A_110 = arith.index_cast %mul3A_109 : i32 to index
      %get3A_111 = tpu.vector_load %arg5[%get3A_110] {strides = array<i32>} : memref<10240xf32, #tpu.memory_space<vmem>>, vector<16xf32>,
      %swap3A_112 = arith.index_cast %add3A_28 : i32 to index
      %swap3A_113 = arith.constant 112 : index
      %swap3A_114 = tpu.vector_load %arg9[%swap3A_112, %swap3A_113] {strides = array<i32>} : memref<80x128xf32, #tpu.memory_space<vmem>>, vector<16xf32>,
      tpu.vector_store %arg9[%swap3A_112, %swap3A_113], %get3A_111 {strides = array<i32>} : memref<80x128xf32, #tpu.memory_space<vmem>>, vector<16xf32>,
    }
    %scan3A_17 = arith.constant 80 : i32
    %run_scoped3A = arith.constant 0 : i32
    "tpu.region"() ({
      %run_scoped3A_24 = tpu.sem_alloc : memref<!tpu.dma_semaphore, #tpu.memory_space<semaphore_mem>>
      %dma_start3A = arith.constant 0 : i32
      %dma_start3A_25 = arith.constant 0 : i32
      %dma_start3A_26 = tpu.memref_slice %arg4[%arg0, %arg1, %run_scoped3A, %dma_start3A, %dma_start3A_25] : memref<2x16x2x80x128xf32, #tpu.memory_space<hbm>> -> memref<1x1x1x80x128xf32, #tpu.memory_space<hbm>>
      %dma_start3A_27 = tpu.memref_squeeze %dma_start3A_26 : memref<1x1x1x80x128xf32, #tpu.memory_space<hbm>> -> memref<80x128xf32, #tpu.memory_space<hbm>>
      %dma_start3A_28 = arith.constant 0 : i32
      %dma_start3A_29 = arith.constant 0 : i32
      %dma_start3A_30 = tpu.memref_slice %arg4[%arg0, %arg1, %run_scoped3A, %dma_start3A_28, %dma_start3A_29] : memref<2x16x2x80x128xf32, #tpu.memory_space<hbm>> -> memref<1x1x1x80x128xf32, #tpu.memory_space<hbm>>
      %dma_start3A_31 = tpu.memref_squeeze %dma_start3A_30 : memref<1x1x1x80x128xf32, #tpu.memory_space<hbm>> -> memref<80x128xf32, #tpu.memory_space<hbm>>
      tpu.enqueue_dma source(%arg9 : memref<80x128xf32, #tpu.memory_space<vmem>>) target(%dma_start3A_31 : memref<80x128xf32, #tpu.memory_space<hbm>>) target_semaphore(%run_scoped3A_24 : memref<!tpu.dma_semaphore, #tpu.memory_space<semaphore_mem>>)
      %dma_wait3A = arith.constant 0 : i32
      %dma_wait3A_32 = arith.constant 0 : i32
      %dma_wait3A_33 = tpu.memref_slice %arg4[%arg0, %arg1, %run_scoped3A, %dma_wait3A, %dma_wait3A_32] : memref<2x16x2x80x128xf32, #tpu.memory_space<hbm>> -> memref<1x1x1x80x128xf32, #tpu.memory_space<hbm>>
      %dma_wait3A_34 = tpu.memref_squeeze %dma_wait3A_33 : memref<1x1x1x80x128xf32, #tpu.memory_space<hbm>> -> memref<80x128xf32, #tpu.memory_space<hbm>>
      %dma_wait3A_35 = arith.constant 0 : i32
      %dma_wait3A_36 = arith.constant 0 : i32
      %dma_wait3A_37 = tpu.memref_slice %arg4[%arg0, %arg1, %run_scoped3A, %dma_wait3A_35, %dma_wait3A_36] : memref<2x16x2x80x128xf32, #tpu.memory_space<hbm>> -> memref<1x1x1x80x128xf32, #tpu.memory_space<hbm>>
      %dma_wait3A_38 = tpu.memref_squeeze %dma_wait3A_37 : memref<1x1x1x80x128xf32, #tpu.memory_space<hbm>> -> memref<80x128xf32, #tpu.memory_space<hbm>>
      tpu.wait_dma2 semaphore(%run_scoped3A_24 : memref<!tpu.dma_semaphore, #tpu.memory_space<semaphore_mem>>) src(%arg9 : memref<80x128xf32, #tpu.memory_space<vmem>>) dst(%dma_wait3A_38 : memref<80x128xf32, #tpu.memory_space<hbm>>)
      tpu.yield
    }) : () -> ()
    %scan3A_18 = arith.constant 0 : i32
    %scan3A_19 = arith.constant 80 : i32
    %scan3A_20 = arith.addi %scan3A_18, %scan3A_19 : i32
    %scan3A_21 = arith.constant 1 : i32
    scf.for %scan3A_24 = %scan3A_18 to %scan3A_20 step %scan3A_21  : i32 {
      %mul3A_25 = arith.constant 1 : i32
      %mul3A_26 = arith.muli %scan3A_24, %mul3A_25 : i32
      %add3A_27 = arith.constant 0 : i32
      %add3A_28 = arith.addi %add3A_27, %mul3A_26 : i32
      %mul3A_29 = arith.constant 8 : i32
      %mul3A_30 = arith.muli %add3A_28, %mul3A_29 : i32
      %add3A_31 = arith.constant 0 : i32
      %add3A_32 = arith.addi %mul3A_30, %add3A_31 : i32
      %mul3A_33 = arith.constant 16 : i32
      %mul3A_34 = arith.muli %add3A_32, %mul3A_33 : i32
      %get3A = arith.index_cast %mul3A_34 : i32 to index
      %get3A_35 = tpu.vector_load %arg6[%get3A] {strides = array<i32>} : memref<10240xf32, #tpu.memory_space<vmem>>, vector<16xf32>,
      %swap3A = arith.index_cast %add3A_28 : i32 to index
      %swap3A_36 = arith.constant 0 : index
      %swap3A_37 = tpu.vector_load %arg9[%swap3A, %swap3A_36] {strides = array<i32>} : memref<80x128xf32, #tpu.memory_space<vmem>>, vector<16xf32>,
      tpu.vector_store %arg9[%swap3A, %swap3A_36], %get3A_35 {strides = array<i32>} : memref<80x128xf32, #tpu.memory_space<vmem>>, vector<16xf32>,
      %mul3A_38 = arith.constant 8 : i32
      %mul3A_39 = arith.muli %add3A_28, %mul3A_38 : i32
      %add3A_40 = arith.constant 1 : i32
      %add3A_41 = arith.addi %mul3A_39, %add3A_40 : i32
      %mul3A_42 = arith.constant 16 : i32
      %mul3A_43 = arith.muli %add3A_41, %mul3A_42 : i32
      %get3A_44 = arith.index_cast %mul3A_43 : i32 to index
      %get3A_45 = tpu.vector_load %arg6[%get3A_44] {strides = array<i32>} : memref<10240xf32, #tpu.memory_space<vmem>>, vector<16xf32>,
      %swap3A_46 = arith.index_cast %add3A_28 : i32 to index
      %swap3A_47 = arith.constant 16 : index
      %swap3A_48 = tpu.vector_load %arg9[%swap3A_46, %swap3A_47] {strides = array<i32>} : memref<80x128xf32, #tpu.memory_space<vmem>>, vector<16xf32>,
      tpu.vector_store %arg9[%swap3A_46, %swap3A_47], %get3A_45 {strides = array<i32>} : memref<80x128xf32, #tpu.memory_space<vmem>>, vector<16xf32>,
      %mul3A_49 = arith.constant 8 : i32
      %mul3A_50 = arith.muli %add3A_28, %mul3A_49 : i32
      %add3A_51 = arith.constant 2 : i32
      %add3A_52 = arith.addi %mul3A_50, %add3A_51 : i32
      %mul3A_53 = arith.constant 16 : i32
      %mul3A_54 = arith.muli %add3A_52, %mul3A_53 : i32
      %get3A_55 = arith.index_cast %mul3A_54 : i32 to index
      %get3A_56 = tpu.vector_load %arg6[%get3A_55] {strides = array<i32>} : memref<10240xf32, #tpu.memory_space<vmem>>, vector<16xf32>,
      %swap3A_57 = arith.index_cast %add3A_28 : i32 to index
      %swap3A_58 = arith.constant 32 : index
      %swap3A_59 = tpu.vector_load %arg9[%swap3A_57, %swap3A_58] {strides = array<i32>} : memref<80x128xf32, #tpu.memory_space<vmem>>, vector<16xf32>,
      tpu.vector_store %arg9[%swap3A_57, %swap3A_58], %get3A_56 {strides = array<i32>} : memref<80x128xf32, #tpu.memory_space<vmem>>, vector<16xf32>,
      %mul3A_60 = arith.constant 8 : i32
      %mul3A_61 = arith.muli %add3A_28, %mul3A_60 : i32
      %add3A_62 = arith.constant 3 : i32
      %add3A_63 = arith.addi %mul3A_61, %add3A_62 : i32
      %mul3A_64 = arith.constant 16 : i32
      %mul3A_65 = arith.muli %add3A_63, %mul3A_64 : i32
      %get3A_66 = arith.index_cast %mul3A_65 : i32 to index
      %get3A_67 = tpu.vector_load %arg6[%get3A_66] {strides = array<i32>} : memref<10240xf32, #tpu.memory_space<vmem>>, vector<16xf32>,
      %swap3A_68 = arith.index_cast %add3A_28 : i32 to index
      %swap3A_69 = arith.constant 48 : index
      %swap3A_70 = tpu.vector_load %arg9[%swap3A_68, %swap3A_69] {strides = array<i32>} : memref<80x128xf32, #tpu.memory_space<vmem>>, vector<16xf32>,
      tpu.vector_store %arg9[%swap3A_68, %swap3A_69], %get3A_67 {strides = array<i32>} : memref<80x128xf32, #tpu.memory_space<vmem>>, vector<16xf32>,
      %mul3A_71 = arith.constant 8 : i32
      %mul3A_72 = arith.muli %add3A_28, %mul3A_71 : i32
      %add3A_73 = arith.constant 4 : i32
      %add3A_74 = arith.addi %mul3A_72, %add3A_73 : i32
      %mul3A_75 = arith.constant 16 : i32
      %mul3A_76 = arith.muli %add3A_74, %mul3A_75 : i32
      %get3A_77 = arith.index_cast %mul3A_76 : i32 to index
      %get3A_78 = tpu.vector_load %arg6[%get3A_77] {strides = array<i32>} : memref<10240xf32, #tpu.memory_space<vmem>>, vector<16xf32>,
      %swap3A_79 = arith.index_cast %add3A_28 : i32 to index
      %swap3A_80 = arith.constant 64 : index
      %swap3A_81 = tpu.vector_load %arg9[%swap3A_79, %swap3A_80] {strides = array<i32>} : memref<80x128xf32, #tpu.memory_space<vmem>>, vector<16xf32>,
      tpu.vector_store %arg9[%swap3A_79, %swap3A_80], %get3A_78 {strides = array<i32>} : memref<80x128xf32, #tpu.memory_space<vmem>>, vector<16xf32>,
      %mul3A_82 = arith.constant 8 : i32
      %mul3A_83 = arith.muli %add3A_28, %mul3A_82 : i32
      %add3A_84 = arith.constant 5 : i32
      %add3A_85 = arith.addi %mul3A_83, %add3A_84 : i32
      %mul3A_86 = arith.constant 16 : i32
      %mul3A_87 = arith.muli %add3A_85, %mul3A_86 : i32
      %get3A_88 = arith.index_cast %mul3A_87 : i32 to index
      %get3A_89 = tpu.vector_load %arg6[%get3A_88] {strides = array<i32>} : memref<10240xf32, #tpu.memory_space<vmem>>, vector<16xf32>,
      %swap3A_90 = arith.index_cast %add3A_28 : i32 to index
      %swap3A_91 = arith.constant 80 : index
      %swap3A_92 = tpu.vector_load %arg9[%swap3A_90, %swap3A_91] {strides = array<i32>} : memref<80x128xf32, #tpu.memory_space<vmem>>, vector<16xf32>,
      tpu.vector_store %arg9[%swap3A_90, %swap3A_91], %get3A_89 {strides = array<i32>} : memref<80x128xf32, #tpu.memory_space<vmem>>, vector<16xf32>,
      %mul3A_93 = arith.constant 8 : i32
      %mul3A_94 = arith.muli %add3A_28, %mul3A_93 : i32
      %add3A_95 = arith.constant 6 : i32
      %add3A_96 = arith.addi %mul3A_94, %add3A_95 : i32
      %mul3A_97 = arith.constant 16 : i32
      %mul3A_98 = arith.muli %add3A_96, %mul3A_97 : i32
      %get3A_99 = arith.index_cast %mul3A_98 : i32 to index
      %get3A_100 = tpu.vector_load %arg6[%get3A_99] {strides = array<i32>} : memref<10240xf32, #tpu.memory_space<vmem>>, vector<16xf32>,
      %swap3A_101 = arith.index_cast %add3A_28 : i32 to index
      %swap3A_102 = arith.constant 96 : index
      %swap3A_103 = tpu.vector_load %arg9[%swap3A_101, %swap3A_102] {strides = array<i32>} : memref<80x128xf32, #tpu.memory_space<vmem>>, vector<16xf32>,
      tpu.vector_store %arg9[%swap3A_101, %swap3A_102], %get3A_100 {strides = array<i32>} : memref<80x128xf32, #tpu.memory_space<vmem>>, vector<16xf32>,
      %mul3A_104 = arith.constant 8 : i32
      %mul3A_105 = arith.muli %add3A_28, %mul3A_104 : i32
      %add3A_106 = arith.constant 7 : i32
      %add3A_107 = arith.addi %mul3A_105, %add3A_106 : i32
      %mul3A_108 = arith.constant 16 : i32
      %mul3A_109 = arith.muli %add3A_107, %mul3A_108 : i32
      %get3A_110 = arith.index_cast %mul3A_109 : i32 to index
      %get3A_111 = tpu.vector_load %arg6[%get3A_110] {strides = array<i32>} : memref<10240xf32, #tpu.memory_space<vmem>>, vector<16xf32>,
      %swap3A_112 = arith.index_cast %add3A_28 : i32 to index
      %swap3A_113 = arith.constant 112 : index
      %swap3A_114 = tpu.vector_load %arg9[%swap3A_112, %swap3A_113] {strides = array<i32>} : memref<80x128xf32, #tpu.memory_space<vmem>>, vector<16xf32>,
      tpu.vector_store %arg9[%swap3A_112, %swap3A_113], %get3A_111 {strides = array<i32>} : memref<80x128xf32, #tpu.memory_space<vmem>>, vector<16xf32>,
    }
    %scan3A_22 = arith.constant 80 : i32
    %run_scoped3A_23 = arith.constant 1 : i32
    "tpu.region"() ({
      %run_scoped3A_24 = tpu.sem_alloc : memref<!tpu.dma_semaphore, #tpu.memory_space<semaphore_mem>>
      %dma_start3A = arith.constant 0 : i32
      %dma_start3A_25 = arith.constant 0 : i32
      %dma_start3A_26 = tpu.memref_slice %arg4[%arg0, %arg1, %run_scoped3A_23, %dma_start3A, %dma_start3A_25] : memref<2x16x2x80x128xf32, #tpu.memory_space<hbm>> -> memref<1x1x1x80x128xf32, #tpu.memory_space<hbm>>
      %dma_start3A_27 = tpu.memref_squeeze %dma_start3A_26 : memref<1x1x1x80x128xf32, #tpu.memory_space<hbm>> -> memref<80x128xf32, #tpu.memory_space<hbm>>
      %dma_start3A_28 = arith.constant 0 : i32
      %dma_start3A_29 = arith.constant 0 : i32
      %dma_start3A_30 = tpu.memref_slice %arg4[%arg0, %arg1, %run_scoped3A_23, %dma_start3A_28, %dma_start3A_29] : memref<2x16x2x80x128xf32, #tpu.memory_space<hbm>> -> memref<1x1x1x80x128xf32, #tpu.memory_space<hbm>>
      %dma_start3A_31 = tpu.memref_squeeze %dma_start3A_30 : memref<1x1x1x80x128xf32, #tpu.memory_space<hbm>> -> memref<80x128xf32, #tpu.memory_space<hbm>>
      tpu.enqueue_dma source(%arg9 : memref<80x128xf32, #tpu.memory_space<vmem>>) target(%dma_start3A_31 : memref<80x128xf32, #tpu.memory_space<hbm>>) target_semaphore(%run_scoped3A_24 : memref<!tpu.dma_semaphore, #tpu.memory_space<semaphore_mem>>)
      %dma_wait3A = arith.constant 0 : i32
      %dma_wait3A_32 = arith.constant 0 : i32
      %dma_wait3A_33 = tpu.memref_slice %arg4[%arg0, %arg1, %run_scoped3A_23, %dma_wait3A, %dma_wait3A_32] : memref<2x16x2x80x128xf32, #tpu.memory_space<hbm>> -> memref<1x1x1x80x128xf32, #tpu.memory_space<hbm>>
      %dma_wait3A_34 = tpu.memref_squeeze %dma_wait3A_33 : memref<1x1x1x80x128xf32, #tpu.memory_space<hbm>> -> memref<80x128xf32, #tpu.memory_space<hbm>>
      %dma_wait3A_35 = arith.constant 0 : i32
      %dma_wait3A_36 = arith.constant 0 : i32
      %dma_wait3A_37 = tpu.memref_slice %arg4[%arg0, %arg1, %run_scoped3A_23, %dma_wait3A_35, %dma_wait3A_36] : memref<2x16x2x80x128xf32, #tpu.memory_space<hbm>> -> memref<1x1x1x80x128xf32, #tpu.memory_space<hbm>>
      %dma_wait3A_38 = tpu.memref_squeeze %dma_wait3A_37 : memref<1x1x1x80x128xf32, #tpu.memory_space<hbm>> -> memref<80x128xf32, #tpu.memory_space<hbm>>
      tpu.wait_dma2 semaphore(%run_scoped3A_24 : memref<!tpu.dma_semaphore, #tpu.memory_space<semaphore_mem>>) src(%arg9 : memref<80x128xf32, #tpu.memory_space<vmem>>) dst(%dma_wait3A_38 : memref<80x128xf32, #tpu.memory_space<hbm>>)
      tpu.yield
    }) : () -> ()
    return
  }
}

module attributes {stable_mosaic.version = 14 : i64} {
  func.func @_deg_body(%arg0: memref<32x2x80x128xf32, #tpu.memory_space<vmem>>, %arg1: memref<2x80x128xf32, #tpu.memory_space<vmem>>) attributes {dimension_semantics = [], scalar_prefetch = 0 : i64, scratch_operands = 0 : i64, tpu.core_type = #tpu.core_type<tc>} {
    %get3A = arith.constant 0 : index
    %get3A_0 = arith.constant 0 : index
    %get3A_1 = arith.constant 0 : index
    %get3A_2 = arith.constant 0 : index
    %get3A_3 = vector.load %arg0[%get3A, %get3A_0, %get3A_1, %get3A_2] : memref<32x2x80x128xf32, #tpu.memory_space<vmem>>, vector<32x2x80x128xf32>
    %reduce_sum3A = arith.constant dense<0.000000e+00> : vector<2x80x128xf32>
    %reduce_sum3A_4 = vector.multi_reduction <add>, %get3A_3, %reduce_sum3A [0] : vector<32x2x80x128xf32> to vector<2x80x128xf32>
    %gt3A = arith.constant 5.000000e-01 : f32
    %gt3A_5 = vector.broadcast %gt3A : f32 to vector<2x80x128xf32>
    %gt3A_6 = arith.cmpf ogt, %reduce_sum3A_4, %gt3A_5 : vector<2x80x128xf32>
    %max3A = arith.constant 9.99999996E-13 : f32
    %max3A_7 = vector.broadcast %max3A : f32 to vector<2x80x128xf32>
    %max3A_8 = arith.maximumf %reduce_sum3A_4, %max3A_7 : vector<2x80x128xf32>
    %rsqrt3A = math.rsqrt %max3A_8 : vector<2x80x128xf32>
    %jit3A = arith.constant 0.000000e+00 : f32
    %broadcast_in_dim3A = vector.broadcast %jit3A : f32 to vector<2x80x128xf32>
    %select_n3A = arith.select %gt3A_6, %rsqrt3A, %broadcast_in_dim3A : vector<2x80x128xi1>, vector<2x80x128xf32>
    %swap3A = arith.constant 0 : index
    %swap3A_9 = arith.constant 0 : index
    %swap3A_10 = arith.constant 0 : index
    %swap3A_11 = vector.load %arg1[%swap3A, %swap3A_9, %swap3A_10] : memref<2x80x128xf32, #tpu.memory_space<vmem>>, vector<2x80x128xf32>
    tpu.vector_store %arg1[%swap3A, %swap3A_9, %swap3A_10], %select_n3A {strides = array<i32>} : memref<2x80x128xf32, #tpu.memory_space<vmem>>, vector<2x80x128xf32>,
    return
  }
}

module attributes {stable_mosaic.version = 14 : i64} {
  func.func @_mm_scale_body(%arg0: i32, %arg1: memref<2000x128xf32, #tpu.memory_space<vmem>>, %arg2: memref<128x128xf32, #tpu.memory_space<vmem>>, %arg3: memref<2000x1xf32, #tpu.memory_space<vmem>>, %arg4: memref<2000x128xf32, #tpu.memory_space<vmem>>) attributes {dimension_semantics = [#tpu.dimension_semantics<arbitrary>], iteration_bounds = array<i64: 5>, scalar_prefetch = 0 : i64, scratch_operands = 0 : i64, tpu.core_type = #tpu.core_type<tc>, window_params = [{transform_indices = @transform_0, window_bounds = array<i64: 2000, 128>}, {pipeline_mode = #tpu.pipeline_mode<synchronous>, transform_indices = @transform_1, window_bounds = array<i64: 128, 128>}, {transform_indices = @transform_2, window_bounds = array<i64: 2000, 1>}, {transform_indices = @transform_3, window_bounds = array<i64: 2000, 128>}]} {
    %get3A = arith.constant 0 : index
    %get3A_0 = arith.constant 0 : index
    %get3A_1 = vector.load %arg1[%get3A, %get3A_0] : memref<2000x128xf32, #tpu.memory_space<vmem>>, vector<2000x128xf32>
    %get3A_2 = arith.constant 0 : index
    %get3A_3 = arith.constant 0 : index
    %get3A_4 = vector.load %arg2[%get3A_2, %get3A_3] : memref<128x128xf32, #tpu.memory_space<vmem>>, vector<128x128xf32>
    %dot_general3A = arith.constant dense<0.000000e+00> : vector<2000x128xf32>
    %dot_general3A_5 = tpu.matmul %get3A_1, %get3A_4, %dot_general3A {dimension_numbers = #tpu.dot_dimension_numbers<[1], [0], [0], [1], [0, 0, 1, 1], [], []>, transpose_lhs_hint = false} : vector<2000x128xf32>, vector<128x128xf32>, vector<2000x128xf32> -> vector<2000x128xf32>
    %get3A_6 = arith.constant 0 : index
    %get3A_7 = arith.constant 0 : index
    %get3A_8 = vector.load %arg3[%get3A_6, %get3A_7] : memref<2000x1xf32, #tpu.memory_space<vmem>>, vector<2000x1xf32>
    %mul3A = vector.broadcast %get3A_8 : vector<2000x1xf32> to vector<2000x128xf32>
    %mul3A_9 = arith.mulf %dot_general3A_5, %mul3A : vector<2000x128xf32>
    %swap3A = arith.constant 0 : index
    %swap3A_10 = arith.constant 0 : index
    %swap3A_11 = vector.load %arg4[%swap3A, %swap3A_10] : memref<2000x128xf32, #tpu.memory_space<vmem>>, vector<2000x128xf32>
    tpu.vector_store %arg4[%swap3A, %swap3A_10], %mul3A_9 {strides = array<i32>} : memref<2000x128xf32, #tpu.memory_space<vmem>>, vector<2000x128xf32>,
    return
  }
  func.func @transform_0(%arg0: i32) -> (i32, i32) {
    %c0_i32 = arith.constant 0 : i32
    %c0_i32_0 = arith.constant 0 : i32
    return %arg0, %c0_i32 : i32, i32
  }
  func.func @transform_1(%arg0: i32) -> (i32, i32) {
    %c0_i32 = arith.constant 0 : i32
    %c0_i32_0 = arith.constant 0 : i32
    %c0_i32_1 = arith.constant 0 : i32
    return %c0_i32, %c0_i32_0 : i32, i32
  }
  func.func @transform_2(%arg0: i32) -> (i32, i32) {
    %c0_i32 = arith.constant 0 : i32
    %c0_i32_0 = arith.constant 0 : i32
    return %arg0, %c0_i32 : i32, i32
  }
  func.func @transform_3(%arg0: i32) -> (i32, i32) {
    %c0_i32 = arith.constant 0 : i32
    %c0_i32_0 = arith.constant 0 : i32
    return %arg0, %c0_i32 : i32, i32
  }
}

module attributes {stable_mosaic.version = 14 : i64} {
  func.func @_finish_body(%arg0: i32, %arg1: memref<2x2000x128xf32, #tpu.memory_space<vmem>>, %arg2: memref<2000x1xf32, #tpu.memory_space<vmem>>, %arg3: memref<1x128xf32, #tpu.memory_space<vmem>>, %arg4: memref<2000x128xf32, #tpu.memory_space<vmem>>) attributes {dimension_semantics = [#tpu.dimension_semantics<arbitrary>], iteration_bounds = array<i64: 5>, scalar_prefetch = 0 : i64, scratch_operands = 0 : i64, tpu.core_type = #tpu.core_type<tc>, window_params = [{transform_indices = @transform_0, window_bounds = array<i64: 2, 2000, 128>}, {transform_indices = @transform_1, window_bounds = array<i64: 2000, 1>}, {pipeline_mode = #tpu.pipeline_mode<synchronous>, transform_indices = @transform_2, window_bounds = array<i64: 1, 128>}, {transform_indices = @transform_3, window_bounds = array<i64: 2000, 128>}]} {
    %get3A = arith.constant 0 : index
    %get3A_0 = arith.constant 0 : index
    %get3A_1 = arith.constant 0 : index
    %get3A_2 = vector.load %arg1[%get3A, %get3A_0, %get3A_1] : memref<2x2000x128xf32, #tpu.memory_space<vmem>>, vector<1x2000x128xf32>
    %get3A_3 = vector.shape_cast %get3A_2 : vector<1x2000x128xf32> to vector<2000x128xf32>
    %get3A_4 = arith.constant 1 : index
    %get3A_5 = arith.constant 0 : index
    %get3A_6 = arith.constant 0 : index
    %get3A_7 = vector.load %arg1[%get3A_4, %get3A_5, %get3A_6] : memref<2x2000x128xf32, #tpu.memory_space<vmem>>, vector<1x2000x128xf32>
    %get3A_8 = vector.shape_cast %get3A_7 : vector<1x2000x128xf32> to vector<2000x128xf32>
    %add3A = arith.addf %get3A_3, %get3A_8 : vector<2000x128xf32>
    %get3A_9 = arith.constant 0 : index
    %get3A_10 = arith.constant 0 : index
    %get3A_11 = vector.load %arg2[%get3A_9, %get3A_10] : memref<2000x1xf32, #tpu.memory_space<vmem>>, vector<2000x1xf32>
    %mul3A = vector.broadcast %get3A_11 : vector<2000x1xf32> to vector<2000x128xf32>
    %mul3A_12 = arith.mulf %add3A, %mul3A : vector<2000x128xf32>
    %get3A_13 = arith.constant 0 : index
    %get3A_14 = arith.constant 0 : index
    %get3A_15 = vector.load %arg3[%get3A_13, %get3A_14] : memref<1x128xf32, #tpu.memory_space<vmem>>, vector<1x128xf32>
    %add3A_16 = vector.broadcast %get3A_15 : vector<1x128xf32> to vector<2000x128xf32>
    %add3A_17 = arith.addf %mul3A_12, %add3A_16 : vector<2000x128xf32>
    %swap3A = arith.constant 0 : index
    %swap3A_18 = arith.constant 0 : index
    %swap3A_19 = vector.load %arg4[%swap3A, %swap3A_18] : memref<2000x128xf32, #tpu.memory_space<vmem>>, vector<2000x128xf32>
    tpu.vector_store %arg4[%swap3A, %swap3A_18], %add3A_17 {strides = array<i32>} : memref<2000x128xf32, #tpu.memory_space<vmem>>, vector<2000x128xf32>,
    return
  }
  func.func @transform_0(%arg0: i32) -> (i32, i32, i32) {
    %c0_i32 = arith.constant 0 : i32
    %c0_i32_0 = arith.constant 0 : i32
    %c0_i32_1 = arith.constant 0 : i32
    return %c0_i32, %arg0, %c0_i32_0 : i32, i32, i32
  }
  func.func @transform_1(%arg0: i32) -> (i32, i32) {
    %c0_i32 = arith.constant 0 : i32
    %c0_i32_0 = arith.constant 0 : i32
    return %arg0, %c0_i32 : i32, i32
  }
  func.func @transform_2(%arg0: i32) -> (i32, i32) {
    %c0_i32 = arith.constant 0 : i32
    %c0_i32_0 = arith.constant 0 : i32
    %c0_i32_1 = arith.constant 0 : i32
    return %c0_i32, %c0_i32_0 : i32, i32
  }
  func.func @transform_3(%arg0: i32) -> (i32, i32) {
    %c0_i32 = arith.constant 0 : i32
    %c0_i32_0 = arith.constant 0 : i32
    return %arg0, %c0_i32 : i32, i32
  }
}

</mosaic_0001>

<sc_bundles>
// kernel: kernel.10.cloned.1.call-start
scs
__scs_entry_jumppad:
0x0: {  	(pc) =	sbr.rel $0x88, $3  }
0x1: {  	(tag) =	ssettag $0x0;
	lr =	simm.s32 $0x1  }
0x2: {  	[smem:$0x3F9D] =	sst lr;
	_ =	strace $0xD0000000  }
0x3: {  	_ = 	snop  }
0x4: {  	_ = 	snop  }
0x5: {  	_ = 	snop  }
0x6: {  	_ = 	snop  }
0x7: {  	_ = 	snop  }
__scs_overlays_trampoline_lowered:
0x8: {  	[smem:$0x3FAC] =	sst s0  }
0x9: {  	[smem:$0x3FAD] =	sst s1  }
0xa: {  	[smem:$0x3FAE] =	sst s2  }
0xb: {  	[smem:$0x3FAF] =	sst s3  }
0xc: {  	[smem:$0x3FB0] =	sst s4  }
0xd: {  	[smem:$0x3FB1] =	sst s5  }
0xe: {  	[smem:$0x3FB2] =	sst s6  }
0xf: {  	[smem:$0x3FB3] =	sst s7  }
0x10: {  	[smem:$0x3FB4] =	sst s8  }
0x11: {  	[smem:$0x3FB5] =	sst s9;
	s0 =	simm.s32 @!p0 $0x0  }
0x12: {  	s1 =	sld [smem:$0x3F9B];
	s0 =	simm.s32 @p0 $0x1  }
0x13: {  	[smem:$0x3FB6] =	sst s0;
	s0 =	simm.s32 @!p1 $0x0  }
0x14: {  	s2 =	sld [smem:$0x3F9A];
	s0 =	simm.s32 @p1 $0x1  }
0x15: {  	[smem:$0x3FB7] =	sst s0;
	s0 =	simm.s32 @!p2 $0x0  }
0x16: {  	s3 =	sld [smem:$0x3FDB];
	s0 =	simm.s32 @p2 $0x1  }
0x17: {  	s4 =	simm.s32 $0x1BF5;
	[smem:$0x3FB9] =	sst s0  }
0x18: {  	s0 =	sld [smem:$0x3F9C];
	_ =	swait.ge [sflag:s4], $0x0  }
0x19: {  	s7 =	sld [smem:$0x3F9D]  }
0x1a: {  	s8 =	sadd.s32 $0xFFFFE003, lr  }
0x1b: {  	s9 =	sadd.s32 $0xFFFFFEF7, lr;
	s5 =	simm.s32 $0xFFFFFFFF;
	p2 =	slt.u32 s8, $0xFFFFF086  }
0x1c: {  	p1 =	slt.u32 s9, $0xF7A;
	s5 =	simm.s32 @!p2 $0x0  }
0x1d: {  	s5 =	simm.s32 @p1 $0x1;
	p0 =	seq.s32 s7, s2  }
0x1e: {  	s7 =	smul.u32 @!p0 $0xF7A, s2;
	p2 =	seq.s32 @!p0 s5, $0x0  }
0x1f: {  	s9 =	smul.u32 $0xF7A, s1;
	s8 =	simm.s32 @!p0 $0x1BF5;
	p2 =	por !p2, p0  }
0x20: {  	[sflag:s8] =	ssyncset.s32 @!p0 $0xFFFFF086;
	s6 =	sadd.s32 @!p0 s3, s7;
	s7 =	simm.s32 @!p0 $0x108  }
0x21: {  	s3 =	sadd.s32 s3, s9;
	s6 =	sadd.s32 @!p0 $0x88, s6;
	s7 =	simm.s32 @p2 $0x1082  }
0x22: {  	[simem:s7], [sflag:s8] =	dma.local @!p0 [hbm:s6], $0xF7A  }
0x23: {  	s9 =	sor.u32 $0xD0000000, s2;
	s6 =	simm.s32 $0x108;
	_ =	swait.ge @!p0 [sflag:s8], $0x0  }
0x24: {  	s3 =	sadd.s32 $0x88, s3;
	s6 =	simm.s32 @!p1 $0x1082;
	[sflag:s4] =	ssyncset.s32 $0xFFFFF086  }
0x25: {  	[simem:s6], [sflag:s4] =	dma.local [hbm:s3], $0xF7A  }
0x26: {  	[smem:$0x3F9D] =	sst s1;
	(tag) =	ssettag s2;
	_ =	strace s9  }
0x27: {  	s1 =	sld [smem:$0x3FAD]  }
0x28: {  	s2 =	sld [smem:$0x3FAE]  }
0x29: {  	s4 =	sld [smem:$0x3FB0]  }
0x2a: {  	p0 =	seq.s32 s5, $0x0;
	s5 =	sld [smem:$0x3FB1]  }
0x2b: {  	s6 =	sld [smem:$0x3FB2]  }
0x2c: {  	s7 =	sld [smem:$0x3FB3]  }
0x2d: {  	s3 =	simm.s32 $0x108;
	s8 =	sld [smem:$0x3FB4]  }
0x2e: {  	s3 =	simm.s32 @!p0 $0x1082;
	s9 =	sld [smem:$0x3FB5]  }
0x2f: {  	lr =	sadd.s32 s0, s3;
	s0 =	sld [smem:$0x3FAC]  }
0x30: {  	s3 =	sld [smem:$0x3FAF]  }
0x31: {  	[smem:$0x3FB8] =	sst s10  }
0x32: {  	s10 =	sld [smem:$0x3FB6];
	_ =	sdelay $0x3  }
0x33: {  	p0 =	seq.s32 s10, $0x1;
	s10 =	sld [smem:$0x3FB8];
	_ =	sdelay $0x3  }
0x34: {  	[smem:$0x3FB8] =	sst s10  }
0x35: {  	s10 =	sld [smem:$0x3FB7];
	_ =	sdelay $0x3  }
0x36: {  	p1 =	seq.s32 s10, $0x1;
	s10 =	sld [smem:$0x3FB8];
	_ =	sdelay $0x3  }
0x37: {  	[smem:$0x3FB8] =	sst s10  }
0x38: {  	s10 =	sld [smem:$0x3FB9]  }
0x39: {  	_ = 	snop;
	(pc) =	sbr.ind lr, $3  }
0x3a: {  	_ = 	snop  }
0x3b: {  	_ = 	snop  }
0x3c: {  	p2 =	seq.s32 s10, $0x1;
	s10 =	sld [smem:$0x3FB8]  }
0x3d: {  	_ =	shalt  }
0x3e: {  	_ =	shalt  }
0x3f: {  	_ =	shalt  }
0x40: {  	_ =	shalt  }
0x41: {  	_ =	shalt  }
0x42: {  	_ =	shalt  }
0x43: {  	_ =	shalt  }
0x44: {  	_ =	shalt  }
0x45: {  	_ =	shalt  }
0x46: {  	_ =	shalt  }
0x47: {  	_ =	shalt  }
0x48: {  	_ =	shalt  }
0x49: {  	_ =	shalt  }
0x4a: {  	_ =	shalt  }
0x4b: {  	_ =	shalt  }
0x4c: {  	_ =	shalt  }
0x4d: {  	_ =	shalt  }
0x4e: {  	_ =	shalt  }
0x4f: {  	_ =	shalt  }
0x50: {  	_ =	shalt  }
0x51: {  	_ =	shalt  }
0x52: {  	_ =	shalt  }
0x53: {  	_ =	shalt  }
0x54: {  	_ =	shalt  }
0x55: {  	_ =	shalt  }
0x56: {  	_ =	shalt  }
0x57: {  	_ =	shalt  }
0x58: {  	_ =	shalt  }
0x59: {  	_ =	shalt  }
0x5a: {  	_ =	shalt  }
0x5b: {  	_ =	shalt  }
0x5c: {  	_ =	shalt  }
0x5d: {  	_ =	shalt  }
0x5e: {  	_ =	shalt  }
0x5f: {  	_ =	shalt  }
0x60: {  	_ =	shalt  }
0x61: {  	_ =	shalt  }
0x62: {  	_ =	shalt  }
0x63: {  	_ =	shalt  }
0x64: {  	_ =	shalt  }
0x65: {  	_ =	shalt  }
0x66: {  	_ =	shalt  }
0x67: {  	_ =	shalt  }
0x68: {  	_ =	shalt  }
0x69: {  	_ =	shalt  }
0x6a: {  	_ =	shalt  }
0x6b: {  	_ =	shalt  }
0x6c: {  	_ =	shalt  }
0x6d: {  	_ =	shalt  }
0x6e: {  	_ =	shalt  }
0x6f: {  	_ =	shalt  }
0x70: {  	_ =	shalt  }
0x71: {  	_ =	shalt  }
0x72: {  	_ =	shalt  }
0x73: {  	_ =	shalt  }
0x74: {  	_ =	shalt  }
0x75: {  	_ =	shalt  }
0x76: {  	_ =	shalt  }
0x77: {  	_ =	shalt  }
0x78: {  	_ =	shalt  }
0x79: {  	_ =	shalt  }
0x7a: {  	_ =	shalt  }
0x7b: {  	_ =	shalt  }
0x7c: {  	_ =	shalt  }
0x7d: {  	_ =	shalt  }
0x7e: {  	_ =	shalt  }
0x7f: {  	_ =	shalt  }
0x80: {  	_ =	shalt  }
0x81: {  	_ =	shalt  }
0x82: {  	_ =	shalt  }
0x83: {  	_ =	shalt  }
0x84: {  	_ =	shalt  }
0x85: {  	_ =	shalt  }
0x86: {  	_ =	shalt  }
0x87: {  	_ =	shalt  }
.Lfunc_end0:
.L_simem_size_0:
called_computation.1_lowered:
.L_overlay_start_0:
0x88: {  	s2 =	sld [smem:$0x3FD9]  }
0x89: {  	s3 =	sld [smem:$0x3FFE];
	_ =	sdelay $0x1  }
0x8a: {  	s1 =	srdreg.scid  }
0x8b: {  	s0 =	sand.u32 $0x1, s1  }
0x8c: {  	s17 =	sshll.u32 s0, $0xA;
	s2 =	sadd.s32 s3, s2  }
0x8d: {  	s2 =	sadd.s32 s2, s17  }
0x8e: {  	[smem:$0x3FC4] =	sst s2  }
0x8f: {  	_ = 	snop  }
0x90: {  	s2 =	sld [smem:$0x3FD0];
	(tm) =	ssettm $0x1  }
0x91: {  	s18 =	sld [smem:$0x3FFB];
	_ =	sdelay $0x3  }
0x92: {  	_ =	strace s18  }
0x93: {  	s3 =	sld [smem:$0x3FFC];
	_ =	sdelay $0x3  }
0x94: {  	_ =	strace s3  }
0x95: {  	s3 =	sld [smem:$0x3FFD];
	_ =	sdelay $0x3  }
0x96: {  	_ =	strace s3  }
0x97: {  	_ =	strace $0x8FFFFFFF  }
0x98: {  	s19 =	sld [smem:$0x3FDB];
	_ =	sdelay $0x1  }
0x99: {  	s4 =	simm.s32 $_scs_section_size  }
0x9a: {  	s5 =	simm.s32 $_size__tile_overlayer_lowered;
	s6 =	simm.s32 $_tile_overlayer_lowered  }
0x9b: {  	s22 =	simm.s32 $0x1BFF;
	s21 =	sshll.u32 s6, $0x1;
	s3 =	sadd.s32 s4, s19  }
0x9c: {  	s7 =	simm.s32 $0x0;
	s20 =	sshll.u32 s5, $0x1;
	s5 =	sadd.s32 s21, s3  }
0x9d: {  	[timem:s7], [sflag:s22] =	dma.local [hbm:s5], s20  }
0x9e: {  	_ =	swait.ge [sflag:s22], s20  }
0x9f: {  	s4 =	ssub.s32 $0x0, s20;
	[sflag:s22] =	ssyncset.done $0x0  }
0xa0: {  	[sflag:s22] =	ssyncadd.s32 s4;
	_ =	sdelay $0x1  }
0xa1: {  	s23 =	simm.s32 $0x1B8B  }
0xa2: {  	_ =	swait.ge [sflag:s23], $0x1  }
0xa3: {  	[sflag:s23] =	ssyncset.done $0x0  }
0xa4: {  	s25 =	simm.s32 $0x1B8E;
	s24 =	sld [smem:$0x3FFE];
	[sflag:s23] =	ssyncadd.s32 $0xFFFFFFFF  }
0xa5: {  	s26 =	simm.s32 $execute0_lowered;
	[smem:$0x3FD2] =	sst s25  }
0xa6: {  	s5 =	sshll.u32 s26, $0x1;
	_ =	strace $0x80000049;
	[dreg:$0x1] =	wrdreg $0xFFFFFFFF  }
0xa7: {  	s28 =	simm.s32 $_size_execute0_lowered;
	s3 =	sadd.s32 s3, s5;
	[dreg:$0x0] =	wrdreg $0x0  }
0xa8: {  	s5 =	sshll.u32 s28, $0x1;
	[dreg:$0x2] =	wrdreg s3  }
0xa9: {  	[dreg:$0x3] =	wrdreg s5  }
0xaa: {  	[dreg:$0x4] =	wrdreg $0xC0  }
0xab: {  	_ =	task [dreg:s7], $0x5FFFF  }
0xac: {  	[dreg:$0x1] =	wrdreg $0xFFFFFFFF  }
0xad: {  	[dreg:$0x0] =	wrdreg $0x60  }
0xae: {  	[dreg:$0x2] =	wrdreg s2  }
0xaf: {  	[dreg:$0x3] =	wrdreg s24  }
0xb0: {  	[dreg:$0x4] =	wrdreg $0x0  }
0xb1: {  	[dreg:$0x5] =	wrdreg $0x9  }
0xb2: {  	_ =	task.clear_ibuf [dreg:s7], $0x6FFFF;
	_ =	strace $0x90000049  }
0xb3: {  	s29 =	simm.s32 $0x9;
	_ =	strace $0x8000004B  }
0xb4: {  	_ =	swait.ge [sflag:s29], $0x1  }
0xb5: {  	[sflag:s29] =	ssyncadd.s32 $0xFFFFFFFF  }
0xb6: {  	_ =	strace $0x9000004B  }
0xb7: {  	_ =	sfence  }
0xb8: {  	s30 =	sld [smem:$0x0];
	_ =	sdelay $0x2  }
0xb9: {  	s31 =	sshll.u32 s1, $0xD;
	s1 =	sshrl.u32 s1, $0x2  }
0xba: {  	s3 =	sand.u32 $0x4000, s31;
	s1 =	sadd.s32 s1, s30  }
0xbb: {  	s0 =	sor.u32 s3, s0;
	s1 =	sshll.u32 s1, $0x11  }
0xbc: {  	s0 =	sor.u32 s1, s0  }
0xbd: {  	s0 =	sadd.s32 $0x8F2B, s0  }
0xbe: {  	[sflag:s0] =	ssyncadd.remote.s32 $0x1  }
0xbf: {  	_ =	sfence.sel $0xFFFF  }
0xc0: {  	[dreg:$0x0] =	wrdreg $0xFFFFFFFF;
	(pc) =	sbr.abs _section_cstart, $3  }
0xc1: {  	[dreg:$0x1] =	wrdreg $0xFFFFFFFF  }
0xc2: {  	_ =	task.clear_ibuf [dreg:s7], $0x2FFFF;
	_ =	strace $0x9FFFFFFF  }
0xc3: {  	(tm) =	ssettm $0x7FFFFFFF  }
tec
execute0_lowered:
.L_overlay_start_1:
0x0: {  	(tag) =	ssettag $0x1  }
0x1: {  	s1 =	rddreg [dreg:$0x0]  }
0x2: {  	s0 =	srdreg.scid;
	s6 =	rddreg [dreg:$0x1]  }
0x3: {  	s13 =	stileid.u32;
	s3 =	rddreg [dreg:$0x2]  }
0x4: {  	s4 =	simm.s32 $0x0;
	s28 =	simm.s32 $0x16180;
	s30 =	simm.s32 $0x1CA00  }
0x5: {  	s31 =	simm.s32 $0x1;
	s29 =	simm.s32 $0x3;
	s14 =	simm.s32 $0x0  }
0x6: {  	s0 =	sand.u32 $0x1, s0;
	s2 =	sshll.u32 s13, $0x1;
	s9 =	smul.u32 $0x13C00, s13  }
0x7: {  	[smem:$0x7FF] =	sst s4;
	s5 =	sadd.s32 $0x1200, s6;
	s15 =	smul.u32 $0x4E200, s13  }
0x8: {  	s11 =	sadd.s32 $0x14E00, s6;
	s12 =	smul.u32 $0x4E20, s13;
	s18 =	sshll.u32 s13, $0x6  }
0x9: {  	s2 =	sor.u32 s0, s2;
	s7 =	smul.u32 $0x13C000, s0;
	_ =	strace $0x8000004A  }
0xa: {  	[dreg:$0x4] =	wrdreg s11;
	s16 =	ssub.s32 $0x2, s0;
	s0 =	smul.u32 $0x2710, s0  }
0xb: {  	s13 =	sor.u32 $0x1C0A, s18;
	s2 =	smul.u32 $0x2710, s2;
	s17 =	sshrl.u32 s16, $0x1  }
0xc: {  	s7 =	sadd.s32 s9, s7;
	s9 =	sshrl.u32 s15, $0x2;
	s11 =	ssub.s32 s16, s17  }
0xd: {  	s0 =	sadd.s32 s0, s12;
	s8 =	sshrl.u32 s2, $0x3;
	s7 =	sshrl.u32 s7, $0x3  }
0xe: {  	s9 =	sadd.s32 s9, s3;
	s2 =	sadd.s32 $0x68, s2;
	s23 =	sadd.s32 $0x208, s0  }
0xf: {  	s24 =	smax.u32 s11, $0x1;
	s25 =	sadd.s32 $0x1A0, s0;
	s17 =	sadd.s32 $0x138, s0  }
0x10: {  	s0 =	simm.s32 $0x2;
	s11 =	simm.s32 $0x9;
	s10 =	sadd.s32 s8, s6  }
0x11: {  	s6 =	sadd.s32 s7, s6;
	s2 =	sshrl.u32 s2, $0x3;
	s20 =	sadd.s32 s5, s8  }
0x12: {  	[dreg:$0xa] =	wrdreg s24;
	s26 =	sshrl.u32 s25, $0x3;
	s18 =	sshrl.u32 s9, $0x3  }
0x13: {  	s24 =	simm.s32 $0x16100;
	s19 =	sadd.s32 $0xB000, s10;
	[dreg:$0x7] =	wrdreg s20  }
0x14: {  	s25 =	simm.s32 $0x5;
	s2 =	sadd.s32 s5, s2;
	[dreg:$0x5] =	wrdreg s19  }
0x15: {  	s8 =	simm.s32 $0x7;
	s21 =	sadd.s32 $0x4E0, s20;
	[dreg:$0x6] =	wrdreg s2  }
0x16: {  	s9 =	simm.s32 $0x8;
	s22 =	sadd.s32 $0x17600, s6;
	[dreg:$0x8] =	wrdreg s21  }
0x17: {  	s7 =	sadd.s32 $0x1A, s20;
	s6 =	simm.s32 $0x6;
	[dreg:$0x9] =	wrdreg s22  }
0x18: {  	s2 =	sshrl.u32 s23, $0x3;
	[dreg:$0xb] =	wrdreg s7;
	s19 =	simm.s32 $0xA  }
0x19: {  	s21 =	simm.s32 $0x16080;
	s22 =	simm.s32 $0x68;
	s2 =	sadd.s32 s2, s5  }
0x1a: {  	s23 =	simm.s32 $0x16200;
	[dreg:$0xc] =	wrdreg s2;
	s2 =	sadd.s32 s26, s5  }
0x1b: {  	s26 =	simm.s32 $0x19600;
	[dreg:$0xd] =	wrdreg s2;
	s2 =	simm.s32 $0x4  }
.LBB2_1:
0x1c: {  	s7 =	rddreg [dreg:$0x4]  }
0x1d: {  	[spmem:s18], [sflag:s13] =	dma.local [hbm:s7], $0x2710  }
0x1e: {  	_ =	swait.ge [sflag:s19], $0x2710  }
0x1f: {  	[sflag:s19] =	ssyncset.done $0x0  }
0x20: {  	s10 =	simm.s32 $0x13880;
	s15 =	rddreg [dreg:$0x5];
	[sflag:s19] =	ssyncadd.s32 $0xFFFFD8F0  }
0x21: {  	[tilespmem:s10], [sflag:$0xA] =	stream.linear.gather [hbm4b:s15+s4], $0x2710, $0x38;
	[tilespmem:$0x1FE00] =	vst v63  }
0x22: {  	_ =	swait.ge [sflag:s19], $0x2710  }
0x23: {  	[sflag:s19] =	ssyncset.done $0x0  }
0x24: {  	[sflag:s19] =	ssyncadd.s32 $0xFFFFD8F0  }
0x25: {  	[bflag:$0x0] =	sbarrier.arrive $0xFFFF  }
0x26: {  	s20 =	rddreg [dreg:$0x7]  }
0x27: {  	[tilespmem:s21], [sflag:$0x4] =	stream.linear.gather [hbm4b:s20+s4], $0x68, $0x38;
	[tilespmem:$0x1FE00] =	vst v63  }
0x28: {  	_ = 	snop  }
0x29: {  	[tilespmem:s23], [sflag:$0x1] =	stream.indirect.gather [hbm4b:s1+s22], $0x80, s10, s22, $0xb8;
	[tilespmem:$0x1FE00] =	vst v63  }
0x2a: {  	s10 =	rddreg [dreg:$0x6]  }
0x2b: {  	[tilespmem:s24], [sflag:$0x5] =	stream.linear.gather [hbm4b:s10+s4], $0x68, $0x38;
	[tilespmem:$0x1FE00] =	vst v63  }
0x2c: {  	s12 =	simm.s32 $0x138E8  }
0x2d: {  	[tilespmem:s26], [sflag:$0x2] =	stream.indirect.gather [hbm4b:s1+s22], $0x80, s12, s22, $0xb8;
	[tilespmem:$0x1FE00] =	vst v63  }
0x2e: {  	s16 =	smov.u32 s13;
	s13 =	rddreg [dreg:$0xb]  }
0x2f: {  	[tilespmem:s28], [sflag:$0x6] =	stream.linear.gather [hbm4b:s13+s4], $0x68, $0x38;
	[tilespmem:$0x1FE00] =	vst v63  }
0x30: {  	s15 =	simm.s32 $0x13950  }
0x31: {  	[tilespmem:s30], [sflag:$0x3] =	stream.indirect.gather [hbm4b:s1+s22], $0x80, s15, s22, $0xb8;
	[tilespmem:$0x1FE00] =	vst v63  }
0x32: {  	_ =	swait.ge [sflag:s31], $0x3400  }
0x33: {  	[sflag:s31] =	ssyncset.done $0x0  }
0x34: {  	[sflag:s31] =	ssyncadd.s32 $0xFFFFCC00  }
0x35: {  	_ =	swait.ge [sflag:s2], $0x68  }
0x36: {  	[sflag:s2] =	ssyncset.done $0x0  }
0x37: {  	[sflag:s2] =	ssyncadd.s32 $0xFFFFFF98  }
0x38: {  	[spmem:s3] =	stream.indirect.scatter.add.f32 [tilespmem:s23], [sflag:$0x7], $0x80, s21, s22, $0xb8;
	[tilespmem:$0x1FE00] =	vst v63  }
0x39: {  	_ =	swait.ge [sflag:s0], $0x3400  }
0x3a: {  	[sflag:s0] =	ssyncset.done $0x0  }
0x3b: {  	[sflag:s0] =	ssyncadd.s32 $0xFFFFCC00  }
0x3c: {  	_ =	swait.ge [sflag:s25], $0x68  }
0x3d: {  	[sflag:s25] =	ssyncset.done $0x0  }
0x3e: {  	[sflag:s25] =	ssyncadd.s32 $0xFFFFFF98  }
0x3f: {  	[spmem:s3] =	stream.indirect.scatter.add.f32 [tilespmem:s26], [sflag:$0x8], $0x80, s24, s22, $0xb8;
	[tilespmem:$0x1FE00] =	vst v63  }
0x40: {  	_ =	swait.ge [sflag:s29], $0x3400  }
0x41: {  	[sflag:s29] =	ssyncset.done $0x0  }
0x42: {  	[sflag:s29] =	ssyncadd.s32 $0xFFFFCC00  }
0x43: {  	_ =	swait.ge [sflag:s6], $0x68  }
0x44: {  	[sflag:s6] =	ssyncset.done $0x0  }
0x45: {  	[sflag:s6] =	ssyncadd.s32 $0xFFFFFF98  }
0x46: {  	[spmem:s3] =	stream.indirect.scatter.add.f32 [tilespmem:s30], [sflag:$0x9], $0x80, s28, s22, $0xb8;
	[tilespmem:$0x1FE00] =	vst v63  }
0x47: {  	_ =	swait.ge [sflag:s8], $0x3400  }
0x48: {  	s20 =	sshrl.u32 s17, $0x3;
	[sflag:s8] =	ssyncset.done $0x0  }
0x49: {  	s10 =	sadd.s32 s5, s20;
	[sflag:s8] =	ssyncadd.s32 $0xFFFFCC00  }
0x4a: {  	[tilespmem:s21], [sflag:$0x4] =	stream.linear.gather [hbm4b:s10+s4], $0x68, $0x38;
	[tilespmem:$0x1FE00] =	vst v63  }
0x4b: {  	s7 =	simm.s32 $0x139B8  }
0x4c: {  	[tilespmem:s23], [sflag:$0x1] =	stream.indirect.gather [hbm4b:s1+s22], $0x80, s7, s22, $0xb8;
	[tilespmem:$0x1FE00] =	vst v63  }
0x4d: {  	_ =	swait.ge [sflag:s9], $0x3400  }
0x4e: {  	[sflag:s9] =	ssyncset.done $0x0  }
0x4f: {  	s13 =	rddreg [dreg:$0xd];
	[sflag:s9] =	ssyncadd.s32 $0xFFFFCC00  }
0x50: {  	[tilespmem:s24], [sflag:$0x5] =	stream.linear.gather [hbm4b:s13+s4], $0x68, $0x38;
	[tilespmem:$0x1FE00] =	vst v63  }
0x51: {  	s12 =	simm.s32 $0x13A20  }
0x52: {  	[tilespmem:s26], [sflag:$0x2] =	stream.indirect.gather [hbm4b:s1+s22], $0x80, s12, s22, $0xb8;
	[tilespmem:$0x1FE00] =	vst v63  }
0x53: {  	_ =	swait.ge [sflag:s11], $0x3400  }
0x54: {  	[sflag:s11] =	ssyncset.done $0x0  }
0x55: {  	s15 =	rddreg [dreg:$0xc];
	[sflag:s11] =	ssyncadd.s32 $0xFFFFCC00  }
0x56: {  	[tilespmem:s28], [sflag:$0x6] =	stream.linear.gather [hbm4b:s15+s4], $0x68, $0x38;
	[tilespmem:$0x1FE00] =	vst v63  }
0x57: {  	s20 =	simm.s32 $0x13A88  }
0x58: {  	[tilespmem:s30], [sflag:$0x3] =	stream.indirect.gather [hbm4b:s1+s22], $0x80, s20, s22, $0xb8;
	[tilespmem:$0x1FE00] =	vst v63  }
0x59: {  	_ =	swait.ge [sflag:s31], $0x3400  }
0x5a: {  	[sflag:s31] =	ssyncset.done $0x0  }
0x5b: {  	[sflag:s31] =	ssyncadd.s32 $0xFFFFCC00  }
0x5c: {  	_ =	swait.ge [sflag:s2], $0x68  }
0x5d: {  	[sflag:s2] =	ssyncset.done $0x0  }
0x5e: {  	[sflag:s2] =	ssyncadd.s32 $0xFFFFFF98  }
0x5f: {  	[spmem:s3] =	stream.indirect.scatter.add.f32 [tilespmem:s23], [sflag:$0x7], $0x80, s21, s22, $0xb8;
	[tilespmem:$0x1FE00] =	vst v63  }
0x60: {  	_ =	swait.ge [sflag:s0], $0x3400  }
0x61: {  	[sflag:s0] =	ssyncset.done $0x0  }
0x62: {  	[sflag:s0] =	ssyncadd.s32 $0xFFFFCC00  }
0x63: {  	_ =	swait.ge [sflag:s25], $0x68  }
0x64: {  	[sflag:s25] =	ssyncset.done $0x0  }
0x65: {  	[sflag:s25] =	ssyncadd.s32 $0xFFFFFF98  }
0x66: {  	[spmem:s3] =	stream.indirect.scatter.add.f32 [tilespmem:s26], [sflag:$0x8], $0x80, s24, s22, $0xb8;
	[tilespmem:$0x1FE00] =	vst v63  }
0x67: {  	_ =	swait.ge [sflag:s29], $0x3400  }
0x68: {  	[sflag:s29] =	ssyncset.done $0x0  }
0x69: {  	[sflag:s29] =	ssyncadd.s32 $0xFFFFCC00  }
0x6a: {  	_ =	swait.ge [sflag:s6], $0x68  }
0x6b: {  	s10 =	sadd.s32 $0x138, s17;
	s13 =	sadd.s32 $0x27, s13;
	[sflag:s6] =	ssyncset.done $0x0  }
0x6c: {  	s12 =	sadd.s32 $0x27, s15;
	s20 =	simm.s32 $0x4E0;
	[sflag:s6] =	ssyncadd.s32 $0xFFFFFF98  }
.LBB2_2:
0x6d: {  	[spmem:s3] =	stream.indirect.scatter.add.f32 [tilespmem:s30], [sflag:$0x9], $0x80, s28, s22, $0xb8;
	[tilespmem:$0x1FE00] =	vst v63  }
0x6e: {  	s7 =	smov.u32 s20  }
0x6f: {  	p0 =	sne.s32 s20, $0x9240;
	s20 =	sadd.s32 $0x4E0, s20;
	_ =	swait.ge [sflag:s8], $0x3400  }
0x70: {  	s15 =	sshrl.u32 s10, $0x3;
	[sflag:s8] =	ssyncset.done $0x0  }
0x71: {  	s15 =	sadd.s32 s5, s15;
	s7 =	sshra.s32 s7, $0x2;
	[sflag:s8] =	ssyncadd.s32 $0xFFFFCC00  }
0x72: {  	[tilespmem:s21], [sflag:$0x4] =	stream.linear.gather [hbm4b:s15+s4], $0x68, $0x38;
	[tilespmem:$0x1FE00] =	vst v63  }
0x73: {  	s15 =	sadd.s32 $0x139B8, s7  }
0x74: {  	[tilespmem:s23], [sflag:$0x1] =	stream.indirect.gather [hbm4b:s1+s22], $0x80, s15, s22, $0xb8;
	[tilespmem:$0x1FE00] =	vst v63  }
0x75: {  	_ =	swait.ge [sflag:s9], $0x3400  }
0x76: {  	[sflag:s9] =	ssyncset.done $0x0  }
0x77: {  	[sflag:s9] =	ssyncadd.s32 $0xFFFFCC00  }
0x78: {  	[tilespmem:s24], [sflag:$0x5] =	stream.linear.gather [hbm4b:s13+s4], $0x68, $0x38;
	[tilespmem:$0x1FE00] =	vst v63  }
0x79: {  	s15 =	sadd.s32 $0x13A20, s7  }
0x7a: {  	[tilespmem:s26], [sflag:$0x2] =	stream.indirect.gather [hbm4b:s1+s22], $0x80, s15, s22, $0xb8;
	[tilespmem:$0x1FE00] =	vst v63  }
0x7b: {  	_ =	swait.ge [sflag:s11], $0x3400  }
0x7c: {  	[sflag:s11] =	ssyncset.done $0x0  }
0x7d: {  	[sflag:s11] =	ssyncadd.s32 $0xFFFFCC00  }
0x7e: {  	[tilespmem:s28], [sflag:$0x6] =	stream.linear.gather [hbm4b:s12+s4], $0x68, $0x38;
	[tilespmem:$0x1FE00] =	vst v63  }
0x7f: {  	s7 =	sadd.s32 $0x13A88, s7  }
0x80: {  	[tilespmem:s30], [sflag:$0x3] =	stream.indirect.gather [hbm4b:s1+s22], $0x80, s7, s22, $0xb8;
	[tilespmem:$0x1FE00] =	vst v63  }
0x81: {  	_ =	swait.ge [sflag:s31], $0x3400  }
0x82: {  	[sflag:s31] =	ssyncset.done $0x0  }
0x83: {  	[sflag:s31] =	ssyncadd.s32 $0xFFFFCC00  }
0x84: {  	_ =	swait.ge [sflag:s2], $0x68  }
0x85: {  	[sflag:s2] =	ssyncset.done $0x0  }
0x86: {  	[sflag:s2] =	ssyncadd.s32 $0xFFFFFF98  }
0x87: {  	[spmem:s3] =	stream.indirect.scatter.add.f32 [tilespmem:s23], [sflag:$0x7], $0x80, s21, s22, $0xb8;
	[tilespmem:$0x1FE00] =	vst v63  }
0x88: {  	_ =	swait.ge [sflag:s0], $0x3400  }
0x89: {  	[sflag:s0] =	ssyncset.done $0x0  }
0x8a: {  	[sflag:s0] =	ssyncadd.s32 $0xFFFFCC00  }
0x8b: {  	_ =	swait.ge [sflag:s25], $0x68  }
0x8c: {  	[sflag:s25] =	ssyncset.done $0x0  }
0x8d: {  	[sflag:s25] =	ssyncadd.s32 $0xFFFFFF98  }
0x8e: {  	[spmem:s3] =	stream.indirect.scatter.add.f32 [tilespmem:s26], [sflag:$0x8], $0x80, s24, s22, $0xb8;
	[tilespmem:$0x1FE00] =	vst v63  }
0x8f: {  	_ =	swait.ge [sflag:s29], $0x3400  }
.Ltmp0:
0x90: {  	[sflag:s29] =	ssyncset.done $0x0;
	(pc) =	sbr.rel @p0 .LBB2_2-.Ltmp0, $4  }
0x91: {  	[sflag:s29] =	ssyncadd.s32 $0xFFFFCC00  }
0x92: {  	_ =	swait.ge [sflag:s6], $0x68  }
0x93: {  	s10 =	sadd.s32 $0x138, s10;
	[sflag:s6] =	ssyncset.done $0x0  }
0x94: {  	s13 =	sadd.s32 $0x27, s13;
	s12 =	sadd.s32 $0x27, s12;
	[sflag:s6] =	ssyncadd.s32 $0xFFFFFF98  }
0x95: {  	[spmem:s3] =	stream.indirect.scatter.add.f32 [tilespmem:s30], [sflag:$0x9], $0x80, s28, s22, $0xb8;
	[tilespmem:$0x1FE00] =	vst v63  }
0x96: {  	_ =	swait.ge [sflag:s8], $0x3400  }
0x97: {  	[sflag:s8] =	ssyncset.done $0x0  }
0x98: {  	[sflag:s8] =	ssyncadd.s32 $0xFFFFCC00  }
0x99: {  	_ =	swait.ge [sflag:s9], $0x3400  }
0x9a: {  	[sflag:s9] =	ssyncset.done $0x0  }
0x9b: {  	[sflag:s9] =	ssyncadd.s32 $0xFFFFCC00  }
0x9c: {  	_ =	swait.ge [sflag:s11], $0x3400  }
0x9d: {  	[sflag:s11] =	ssyncset.done $0x0  }
0x9e: {  	s10 =	simm.s32 $0x16000;
	s7 =	rddreg [dreg:$0x8];
	[sflag:s11] =	ssyncadd.s32 $0xFFFFCC00  }
0x9f: {  	[tilespmem:s10], [sflag:$0xA] =	stream.linear.gather [hbm4b:s7+s4], $0x10, $0x38;
	[tilespmem:$0x1FE00] =	vst v63  }
0xa0: {  	_ =	swait.ge [sflag:s19], $0x10  }
0xa1: {  	[sflag:s19] =	ssyncset.done $0x0  }
0xa2: {  	s13 =	simm.s32 $0x10;
	s12 =	simm.s32 $0x15F80;
	[sflag:s19] =	ssyncadd.s32 $0xFFFFFFF0  }
0xa3: {  	[tilespmem:s23], [sflag:$0xA] =	stream.indirect.gather [hbm4b:s1+s13], $0x80, s12, s13, $0xb8;
	[tilespmem:$0x1FE00] =	vst v63  }
0xa4: {  	_ =	swait.ge [sflag:s19], $0x800  }
0xa5: {  	[sflag:s19] =	ssyncset.done $0x0  }
0xa6: {  	[sflag:s19] =	ssyncadd.s32 $0xFFFFF800  }
0xa7: {  	[spmem:s3] =	stream.indirect.scatter.add.f32 [tilespmem:s23], [sflag:$0xA], $0x80, s10, s13, $0xb8;
	[tilespmem:$0x1FE00] =	vst v63  }
0xa8: {  	_ =	swait.ge [sflag:s19], $0x800  }
0xa9: {  	[sflag:s19] =	ssyncset.done $0x0  }
0xaa: {  	[sflag:s19] =	ssyncadd.s32 $0xFFFFF800  }
0xab: {  	[bflag:$0x0] =	sbarrier.arrive $0xFFFF  }
0xac: {  	s15 =	rddreg [dreg:$0x9]  }
0xad: {  	[hbm:s15], [sflag:s16] =	dma.local [spmem:s18], $0x2710  }
0xae: {  	_ =	swait.ge [sflag:s19], $0x2710  }
0xaf: {  	s14 =	sadd.s32 $0x1, s14;
	s20 =	rddreg [dreg:$0xa]  }
0xb0: {  	p0 =	sne.s32 s14, s20  }
.Ltmp1:
0xb1: {  	_ = 	snop;
	(pc) =	sbr.rel @p0 .LBB2_1-.Ltmp1, $3  }
0xb2: {  	_ =	sdelay $0x1  }
0xb3: {  	[sflag:s19] =	ssyncset.done $0x0  }
0xb4: {  	s13 =	smov.u32 s16;
	[sflag:s19] =	ssyncadd.s32 $0xFFFFD8F0  }
0xb5: {  	_ =	sfence.sel $0x180000  }
0xb6: {  	[bflag:$0x0] =	sbarrier.arrive $0xFFFF  }
0xb7: {  	_ =	strace $0x9000004A  }
0xb8: {  	s0 =	stileid.u32;
	[bflag:$0x2] =	sbarrier.arrive $0xFFFF  }
0xb9: {  	p0 =	sne.s32 s0, $0x0;
	s0 =	rddreg [dreg:$0x3]  }
0xba: {  	s0 =	sadd.s32 @!p0 $0x100000, s0  }
0xbb: {  	[sflag:s0] =	ssyncadd.tile.s32 @!p0 $0x1;
	_ =	shalt  }
.Lfunc_end2:
_tile_overlayer_lowered:
.L_overlay_start_2:
0xbc: {  	(tag) =	ssettag $0x2  }
0xbd: {  	s0 =	rddreg [dreg:$0x0];
	s2 =	stileid.u32  }
0xbe: {  	s1 =	rddreg [dreg:$0x1];
	p0 =	sne.s32 s2, $0x0  }
0xbf: {  	s3 =	rddreg [dreg:$0x2];
	[bflag:$0x3] =	sbarrier.arrive $0xFFFF;
	s2 =	simm.s32 @!p0 $0x1C0A  }
0xc0: {  	[timem:s3], [sflag:s2] =	dma.local @!p0 [hbm:s0], s1  }
0xc1: {  	s0 =	simm.s32 @!p0 $0xA  }
0xc2: {  	_ =	swait.ge @!p0 [sflag:s0], s1  }
0xc3: {  	s1 =	ssub.s32 @!p0 $0x0, s1;
	[sflag:s0] =	ssyncset.done @!p0 $0x0  }
0xc4: {  	[sflag:s0] =	ssyncadd.s32 @!p0 s1  }
0xc5: {  	[bflag:$0x3] =	sbarrier.arrive $0xFFFF  }
0xc6: {  	_ =	shalt  }

// kernel: kernel.7.cloned.1.call-start
scs
__scs_entry_jumppad:
0x0: {  	(pc) =	sbr.rel $0x88, $3  }
0x1: {  	(tag) =	ssettag $0x0;
	lr =	simm.s32 $0x1  }
0x2: {  	[smem:$0x3F9D] =	sst lr;
	_ =	strace $0xD0000000  }
0x3: {  	_ = 	snop  }
0x4: {  	_ = 	snop  }
0x5: {  	_ = 	snop  }
0x6: {  	_ = 	snop  }
0x7: {  	_ = 	snop  }
__scs_overlays_trampoline_lowered:
0x8: {  	[smem:$0x3FAC] =	sst s0  }
0x9: {  	[smem:$0x3FAD] =	sst s1  }
0xa: {  	[smem:$0x3FAE] =	sst s2  }
0xb: {  	[smem:$0x3FAF] =	sst s3  }
0xc: {  	[smem:$0x3FB0] =	sst s4  }
0xd: {  	[smem:$0x3FB1] =	sst s5  }
0xe: {  	[smem:$0x3FB2] =	sst s6  }
0xf: {  	[smem:$0x3FB3] =	sst s7  }
0x10: {  	[smem:$0x3FB4] =	sst s8  }
0x11: {  	[smem:$0x3FB5] =	sst s9;
	s0 =	simm.s32 @!p0 $0x0  }
0x12: {  	s1 =	sld [smem:$0x3F9B];
	s0 =	simm.s32 @p0 $0x1  }
0x13: {  	[smem:$0x3FB6] =	sst s0;
	s0 =	simm.s32 @!p1 $0x0  }
0x14: {  	s2 =	sld [smem:$0x3F9A];
	s0 =	simm.s32 @p1 $0x1  }
0x15: {  	[smem:$0x3FB7] =	sst s0;
	s0 =	simm.s32 @!p2 $0x0  }
0x16: {  	s3 =	sld [smem:$0x3FDB];
	s0 =	simm.s32 @p2 $0x1  }
0x17: {  	s4 =	simm.s32 $0x1BF5;
	[smem:$0x3FB9] =	sst s0  }
0x18: {  	s0 =	sld [smem:$0x3F9C];
	_ =	swait.ge [sflag:s4], $0x0  }
0x19: {  	s7 =	sld [smem:$0x3F9D]  }
0x1a: {  	s8 =	sadd.s32 $0xFFFFE003, lr  }
0x1b: {  	s9 =	sadd.s32 $0xFFFFFEF7, lr;
	s5 =	simm.s32 $0xFFFFFFFF;
	p2 =	slt.u32 s8, $0xFFFFF086  }
0x1c: {  	p1 =	slt.u32 s9, $0xF7A;
	s5 =	simm.s32 @!p2 $0x0  }
0x1d: {  	s5 =	simm.s32 @p1 $0x1;
	p0 =	seq.s32 s7, s2  }
0x1e: {  	s7 =	smul.u32 @!p0 $0xF7A, s2;
	p2 =	seq.s32 @!p0 s5, $0x0  }
0x1f: {  	s9 =	smul.u32 $0xF7A, s1;
	s8 =	simm.s32 @!p0 $0x1BF5;
	p2 =	por !p2, p0  }
0x20: {  	[sflag:s8] =	ssyncset.s32 @!p0 $0xFFFFF086;
	s6 =	sadd.s32 @!p0 s3, s7;
	s7 =	simm.s32 @!p0 $0x108  }
0x21: {  	s3 =	sadd.s32 s3, s9;
	s6 =	sadd.s32 @!p0 $0x88, s6;
	s7 =	simm.s32 @p2 $0x1082  }
0x22: {  	[simem:s7], [sflag:s8] =	dma.local @!p0 [hbm:s6], $0xF7A  }
0x23: {  	s9 =	sor.u32 $0xD0000000, s2;
	s6 =	simm.s32 $0x108;
	_ =	swait.ge @!p0 [sflag:s8], $0x0  }
0x24: {  	s3 =	sadd.s32 $0x88, s3;
	s6 =	simm.s32 @!p1 $0x1082;
	[sflag:s4] =	ssyncset.s32 $0xFFFFF086  }
0x25: {  	[simem:s6], [sflag:s4] =	dma.local [hbm:s3], $0xF7A  }
0x26: {  	[smem:$0x3F9D] =	sst s1;
	(tag) =	ssettag s2;
	_ =	strace s9  }
0x27: {  	s1 =	sld [smem:$0x3FAD]  }
0x28: {  	s2 =	sld [smem:$0x3FAE]  }
0x29: {  	s4 =	sld [smem:$0x3FB0]  }
0x2a: {  	p0 =	seq.s32 s5, $0x0;
	s5 =	sld [smem:$0x3FB1]  }
0x2b: {  	s6 =	sld [smem:$0x3FB2]  }
0x2c: {  	s7 =	sld [smem:$0x3FB3]  }
0x2d: {  	s3 =	simm.s32 $0x108;
	s8 =	sld [smem:$0x3FB4]  }
0x2e: {  	s3 =	simm.s32 @!p0 $0x1082;
	s9 =	sld [smem:$0x3FB5]  }
0x2f: {  	lr =	sadd.s32 s0, s3;
	s0 =	sld [smem:$0x3FAC]  }
0x30: {  	s3 =	sld [smem:$0x3FAF]  }
0x31: {  	[smem:$0x3FB8] =	sst s10  }
0x32: {  	s10 =	sld [smem:$0x3FB6];
	_ =	sdelay $0x3  }
0x33: {  	p0 =	seq.s32 s10, $0x1;
	s10 =	sld [smem:$0x3FB8];
	_ =	sdelay $0x3  }
0x34: {  	[smem:$0x3FB8] =	sst s10  }
0x35: {  	s10 =	sld [smem:$0x3FB7];
	_ =	sdelay $0x3  }
0x36: {  	p1 =	seq.s32 s10, $0x1;
	s10 =	sld [smem:$0x3FB8];
	_ =	sdelay $0x3  }
0x37: {  	[smem:$0x3FB8] =	sst s10  }
0x38: {  	s10 =	sld [smem:$0x3FB9]  }
0x39: {  	_ = 	snop;
	(pc) =	sbr.ind lr, $3  }
0x3a: {  	_ = 	snop  }
0x3b: {  	_ = 	snop  }
0x3c: {  	p2 =	seq.s32 s10, $0x1;
	s10 =	sld [smem:$0x3FB8]  }
0x3d: {  	_ =	shalt  }
0x3e: {  	_ =	shalt  }
0x3f: {  	_ =	shalt  }
0x40: {  	_ =	shalt  }
0x41: {  	_ =	shalt  }
0x42: {  	_ =	shalt  }
0x43: {  	_ =	shalt  }
0x44: {  	_ =	shalt  }
0x45: {  	_ =	shalt  }
0x46: {  	_ =	shalt  }
0x47: {  	_ =	shalt  }
0x48: {  	_ =	shalt  }
0x49: {  	_ =	shalt  }
0x4a: {  	_ =	shalt  }
0x4b: {  	_ =	shalt  }
0x4c: {  	_ =	shalt  }
0x4d: {  	_ =	shalt  }
0x4e: {  	_ =	shalt  }
0x4f: {  	_ =	shalt  }
0x50: {  	_ =	shalt  }
0x51: {  	_ =	shalt  }
0x52: {  	_ =	shalt  }
0x53: {  	_ =	shalt  }
0x54: {  	_ =	shalt  }
0x55: {  	_ =	shalt  }
0x56: {  	_ =	shalt  }
0x57: {  	_ =	shalt  }
0x58: {  	_ =	shalt  }
0x59: {  	_ =	shalt  }
0x5a: {  	_ =	shalt  }
0x5b: {  	_ =	shalt  }
0x5c: {  	_ =	shalt  }
0x5d: {  	_ =	shalt  }
0x5e: {  	_ =	shalt  }
0x5f: {  	_ =	shalt  }
0x60: {  	_ =	shalt  }
0x61: {  	_ =	shalt  }
0x62: {  	_ =	shalt  }
0x63: {  	_ =	shalt  }
0x64: {  	_ =	shalt  }
0x65: {  	_ =	shalt  }
0x66: {  	_ =	shalt  }
0x67: {  	_ =	shalt  }
0x68: {  	_ =	shalt  }
0x69: {  	_ =	shalt  }
0x6a: {  	_ =	shalt  }
0x6b: {  	_ =	shalt  }
0x6c: {  	_ =	shalt  }
0x6d: {  	_ =	shalt  }
0x6e: {  	_ =	shalt  }
0x6f: {  	_ =	shalt  }
0x70: {  	_ =	shalt  }
0x71: {  	_ =	shalt  }
0x72: {  	_ =	shalt  }
0x73: {  	_ =	shalt  }
0x74: {  	_ =	shalt  }
0x75: {  	_ =	shalt  }
0x76: {  	_ =	shalt  }
0x77: {  	_ =	shalt  }
0x78: {  	_ =	shalt  }
0x79: {  	_ =	shalt  }
0x7a: {  	_ =	shalt  }
0x7b: {  	_ =	shalt  }
0x7c: {  	_ =	shalt  }
0x7d: {  	_ =	shalt  }
0x7e: {  	_ =	shalt  }
0x7f: {  	_ =	shalt  }
0x80: {  	_ =	shalt  }
0x81: {  	_ =	shalt  }
0x82: {  	_ =	shalt  }
0x83: {  	_ =	shalt  }
0x84: {  	_ =	shalt  }
0x85: {  	_ =	shalt  }
0x86: {  	_ =	shalt  }
0x87: {  	_ =	shalt  }
.Lfunc_end0:
.L_simem_size_0:
called_computation_lowered:
.L_overlay_start_0:
0x88: {  	s2 =	sld [smem:$0x3FD9]  }
0x89: {  	s3 =	sld [smem:$0x3FFE];
	_ =	sdelay $0x1  }
0x8a: {  	s1 =	srdreg.scid  }
0x8b: {  	s0 =	sand.u32 $0x1, s1  }
0x8c: {  	s17 =	sshll.u32 s0, $0xA;
	s2 =	sadd.s32 s3, s2  }
0x8d: {  	s2 =	sadd.s32 s2, s17  }
0x8e: {  	[smem:$0x3FC4] =	sst s2  }
0x8f: {  	_ = 	snop  }
0x90: {  	s2 =	sld [smem:$0x3FD0];
	(tm) =	ssettm $0x1  }
0x91: {  	s18 =	sld [smem:$0x3FFB];
	_ =	sdelay $0x3  }
0x92: {  	_ =	strace s18  }
0x93: {  	s3 =	sld [smem:$0x3FFC];
	_ =	sdelay $0x3  }
0x94: {  	_ =	strace s3  }
0x95: {  	s3 =	sld [smem:$0x3FFD];
	_ =	sdelay $0x3  }
0x96: {  	_ =	strace s3  }
0x97: {  	_ =	strace $0x8FFFFFFF  }
0x98: {  	s19 =	sld [smem:$0x3FDB];
	_ =	sdelay $0x1  }
0x99: {  	s4 =	simm.s32 $_scs_section_size  }
0x9a: {  	s5 =	simm.s32 $_size__tile_overlayer_lowered;
	s6 =	simm.s32 $_tile_overlayer_lowered  }
0x9b: {  	s22 =	simm.s32 $0x1BFF;
	s21 =	sshll.u32 s6, $0x1;
	s3 =	sadd.s32 s4, s19  }
0x9c: {  	s7 =	simm.s32 $0x0;
	s20 =	sshll.u32 s5, $0x1;
	s5 =	sadd.s32 s21, s3  }
0x9d: {  	[timem:s7], [sflag:s22] =	dma.local [hbm:s5], s20  }
0x9e: {  	_ =	swait.ge [sflag:s22], s20  }
0x9f: {  	s4 =	ssub.s32 $0x0, s20;
	[sflag:s22] =	ssyncset.done $0x0  }
0xa0: {  	[sflag:s22] =	ssyncadd.s32 s4;
	_ =	sdelay $0x1  }
0xa1: {  	s23 =	simm.s32 $0x1B8B  }
0xa2: {  	_ =	swait.ge [sflag:s23], $0x1  }
0xa3: {  	[sflag:s23] =	ssyncset.done $0x0  }
0xa4: {  	s25 =	simm.s32 $0x1B8E;
	s24 =	sld [smem:$0x3FFE];
	[sflag:s23] =	ssyncadd.s32 $0xFFFFFFFF  }
0xa5: {  	s26 =	simm.s32 $execute0_lowered;
	[smem:$0x3FD2] =	sst s25  }
0xa6: {  	s5 =	sshll.u32 s26, $0x1;
	_ =	strace $0x80000046;
	[dreg:$0x1] =	wrdreg $0xFFFFFFFF  }
0xa7: {  	s28 =	simm.s32 $_size_execute0_lowered;
	s3 =	sadd.s32 s3, s5;
	[dreg:$0x0] =	wrdreg $0x0  }
0xa8: {  	s5 =	sshll.u32 s28, $0x1;
	[dreg:$0x2] =	wrdreg s3  }
0xa9: {  	[dreg:$0x3] =	wrdreg s5  }
0xaa: {  	[dreg:$0x4] =	wrdreg $0xC0  }
0xab: {  	_ =	task [dreg:s7], $0x5FFFF  }
0xac: {  	[dreg:$0x1] =	wrdreg $0xFFFFFFFF  }
0xad: {  	[dreg:$0x0] =	wrdreg $0x60  }
0xae: {  	[dreg:$0x2] =	wrdreg s24  }
0xaf: {  	[dreg:$0x3] =	wrdreg s2  }
0xb0: {  	[dreg:$0x4] =	wrdreg $0x9  }
0xb1: {  	_ =	task.clear_ibuf [dreg:s7], $0x5FFFF;
	_ =	strace $0x90000046  }
0xb2: {  	s29 =	simm.s32 $0x9;
	_ =	strace $0x80000048  }
0xb3: {  	_ =	swait.ge [sflag:s29], $0x1  }
0xb4: {  	[sflag:s29] =	ssyncadd.s32 $0xFFFFFFFF  }
0xb5: {  	_ =	strace $0x90000048  }
0xb6: {  	_ =	sfence  }
0xb7: {  	s30 =	sld [smem:$0x0];
	_ =	sdelay $0x2  }
0xb8: {  	s31 =	sshll.u32 s1, $0xD;
	s1 =	sshrl.u32 s1, $0x2  }
0xb9: {  	s3 =	sand.u32 $0x4000, s31;
	s1 =	sadd.s32 s1, s30  }
0xba: {  	s0 =	sor.u32 s3, s0;
	s1 =	sshll.u32 s1, $0x11  }
0xbb: {  	s0 =	sor.u32 s1, s0  }
0xbc: {  	s0 =	sadd.s32 $0x8F2B, s0  }
0xbd: {  	[sflag:s0] =	ssyncadd.remote.s32 $0x1  }
0xbe: {  	_ =	sfence.sel $0xFFFF  }
0xbf: {  	[dreg:$0x0] =	wrdreg $0xFFFFFFFF;
	(pc) =	sbr.abs _section_cstart, $3  }
0xc0: {  	[dreg:$0x1] =	wrdreg $0xFFFFFFFF  }
0xc1: {  	_ =	task.clear_ibuf [dreg:s7], $0x2FFFF;
	_ =	strace $0x9FFFFFFF  }
0xc2: {  	(tm) =	ssettm $0x7FFFFFFF  }
0xc3: {  	_ =	shalt  }
tec
execute0_lowered:
.L_overlay_start_1:
0x0: {  	(tag) =	ssettag $0x1  }
0x1: {  	s3 =	rddreg [dreg:$0x0];
	s0 =	srdreg.scid  }
0x2: {  	s4 =	rddreg [dreg:$0x1];
	s1 =	stileid.u32  }
0x3: {  	s2 =	simm.s32 $0x0;
	s9 =	simm.s32 $0x1;
	s10 =	simm.s32 $0x7780  }
0x4: {  	s11 =	simm.s32 $0x2800;
	s12 =	simm.s32 $0x9F00;
	s13 =	simm.s32 $0x0  }
0x5: {  	s5 =	sand.u32 $0x1, s0;
	s6 =	sshll.u32 s1, $0x1;
	s8 =	smul.u32 $0x5000, s1  }
0x6: {  	s0 =	rddreg [dreg:$0x2];
	s7 =	smul.u32 $0x50000, s5;
	s6 =	sor.u32 s5, s6  }
0x7: {  	[smem:$0x7FF] =	sst s2;
	s5 =	ssub.s32 $0x2, s5;
	s6 =	smul.u32 $0x4E2, s6  }
0x8: {  	_ =	strace $0x80000047;
	s30 =	sshrl.u32 s5, $0x1;
	s7 =	sadd.s32 s8, s7  }
0x9: {  	s31 =	ssub.s32 s5, s30;
	s6 =	sadd.s32 s6, s3;
	s7 =	sshrl.u32 s7, $0x3  }
0xa: {  	s8 =	simm.s32 $0x5000;
	s3 =	sadd.s32 $0xB000, s6;
	s4 =	sadd.s32 s4, s7  }
0xb: {  	v0 =	vimm.f32 $0.0e+00;
	s5 =	sadd.s32 $0x1200, s6;
	s7 =	smax.u32 s31, $0x1;
	s6 =	sadd.s32 $0x500, s4  }
.LBB2_1:
0xc: {  	s14 =	simm.s32 $0x40;
	s15 =	simm.s32 $0x0  }
.LBB2_2:
0xd: {  	p0 =	sne.s32 s14, $0x9FC0;
	[tilespmem:s15+$0x0] =	vst v0;
	s16 =	smov.u32 s14;
	s14 =	sadd.s32 $0x40, s14  }
.Ltmp0:
0xe: {  	[tilespmem:s15+$0x2800] =	vst v0;
	(pc) =	sbr.rel @p0 .LBB2_2-.Ltmp0, $2  }
0xf: {  	_ =	sdelay $0x2  }
0x10: {  	s15 =	sshra.s32 s16, $0x2  }
0x11: {  	[tilespmem:s15+$0x0] =	vst v0  }
0x12: {  	[tilespmem:s15+$0x2800] =	vst v0;
	s14 =	simm.s32 $0x0  }
0x13: {  	[tilespmem:s8], [sflag:$0x1] =	stream.linear.gather [hbm4b:s3+s14], $0x2710, $0x38;
	[tilespmem:$0xC700] =	vst v63  }
0x14: {  	_ =	swait.ge [sflag:s9], $0x2710  }
0x15: {  	[sflag:s9] =	ssyncset.done $0x0  }
0x16: {  	[sflag:s9] =	ssyncadd.s32 $0xFFFFD8F0  }
0x17: {  	[tilespmem:s10], [sflag:$0x1] =	stream.linear.gather [hbm4b:s5+s14], $0x2710, $0x38;
	[tilespmem:$0xC700] =	vst v63  }
0x18: {  	_ =	swait.ge [sflag:s9], $0x2710  }
0x19: {  	[sflag:s9] =	ssyncset.done $0x0  }
0x1a: {  	s16 =	simm.s32 $0x0;
	s15 =	simm.s32 $0x40;
	[sflag:s9] =	ssyncadd.s32 $0xFFFFD8F0  }
.LBB2_4:
0x1b: {  	p0 =	sne.s32 s15, $0x9C00;
	v1 =	vld [tilespmem:s16+$0x5000];
	_ =	sdelay $0x4  }
0x1c: {  	(xrf1) =	vunique.msk.u32 $0xffff, v1;
	_ =	sdelay $0xd  }
0x1d: {  	_, v2, vm0 =	vpop (xrf1);
	_ =	sdelay $0x3  }
0x1e: {  	v2 =	vcvt.s32.f32 v2;
	_ =	sdelay $0x1  }
0x1f: {  	[tilespmem:v1+s14+$0x0] =	vst.idx.add.f32.msk vm0, v2  }
0x20: {  	v1 =	vld [tilespmem:s16+$0x7780];
	_ =	sdelay $0x4  }
0x21: {  	(xrf1) =	vunique.msk.u32 $0xffff, v1;
	_ =	sdelay $0xd  }
0x22: {  	_, v2, vm0 =	vpop (xrf1);
	_ =	sdelay $0x1  }
.Ltmp1:
0x23: {  	(pc) =	sbr.rel @p0 .LBB2_4-.Ltmp1, $3  }
0x24: {  	_ = 	snop  }
0x25: {  	v2 =	vcvt.s32.f32 v2;
	_ =	sdelay $0x1  }
0x26: {  	s16 =	sshra.s32 s15, $0x2;
	s15 =	sadd.s32 $0x40, s15;
	[tilespmem:v1+s11+$0x0] =	vst.idx.add.f32.msk vm0, v2  }
0x27: {  	v1 =	vld [tilespmem:s16+$0x5000];
	_ =	sdelay $0x4  }
0x28: {  	(xrf1) =	vunique.msk.u32 $0xffff, v1;
	_ =	sdelay $0xd  }
0x29: {  	_, v2, vm0 =	vpop (xrf1);
	_ =	sdelay $0x3  }
0x2a: {  	v2 =	vcvt.s32.f32 v2;
	_ =	sdelay $0x1  }
0x2b: {  	[tilespmem:v1+s14+$0x0] =	vst.idx.add.f32.msk vm0, v2  }
0x2c: {  	v1 =	vld [tilespmem:s16+$0x7780];
	_ =	sdelay $0x4  }
0x2d: {  	(xrf1) =	vunique.msk.u32 $0xffff, v1;
	_ =	sdelay $0xd  }
0x2e: {  	_, v2, vm0 =	vpop (xrf1);
	_ =	sdelay $0x3  }
0x2f: {  	v2 =	vcvt.s32.f32 v2;
	_ =	sdelay $0x1  }
0x30: {  	s14 =	simm.s32 $0x0;
	[tilespmem:v1+s11+$0x0] =	vst.idx.add.f32.msk vm0, v2  }
0x31: {  	v4 =	vld [tilespmem:s14+$0x70]  }
0x32: {  	v5 =	vld [tilespmem:s14+$0x0]  }
0x33: {  	v6 =	vld [tilespmem:s14+$0x10]  }
0x34: {  	v3 =	vld [tilespmem:s14+$0x20]  }
0x35: {  	v1 =	vld [tilespmem:s14+$0x30]  }
0x36: {  	v2 =	vld [tilespmem:s14+$0x40];
	[tilespmem:s14+$0x9F70] =	vst v4  }
0x37: {  	[tilespmem:s14+$0x9F00] =	vst v5;
	v4 =	vld [tilespmem:s14+$0x50]  }
0x38: {  	s15 =	simm.s32 $0x80;
	s16 =	simm.s32 $0x400;
	[tilespmem:s14+$0x9F10] =	vst v6;
	v5 =	vld [tilespmem:s14+$0x60]  }
.LBB2_6:
0x39: {  	p0 =	sne.s32 s16, $0x9E00;
	v6 =	vld [tilespmem:s15+$0x70];
	[tilespmem:s14+$0x9F20] =	vst v3  }
0x3a: {  	v7 =	vld [tilespmem:s15+$0x0];
	[tilespmem:s14+$0x9F30] =	vst v1  }
0x3b: {  	v8 =	vld [tilespmem:s15+$0x10];
	[tilespmem:s14+$0x9F40] =	vst v2  }
.Ltmp2:
0x3c: {  	v3 =	vld [tilespmem:s15+$0x20];
	[tilespmem:s14+$0x9F50] =	vst v4;
	(pc) =	sbr.rel @p0 .LBB2_6-.Ltmp2, $4  }
0x3d: {  	v1 =	vld [tilespmem:s15+$0x30];
	[tilespmem:s14+$0x9F60] =	vst v5;
	s14 =	smov.u32 s15  }
0x3e: {  	v2 =	vld [tilespmem:s14+$0x40];
	[tilespmem:s14+$0x9F70] =	vst v6  }
0x3f: {  	[tilespmem:s14+$0x9F00] =	vst v7;
	v4 =	vld [tilespmem:s14+$0x50]  }
0x40: {  	s15 =	sshra.s32 s16, $0x2;
	s16 =	sadd.s32 $0x200, s16;
	[tilespmem:s14+$0x9F10] =	vst v8;
	v5 =	vld [tilespmem:s14+$0x60]  }
0x41: {  	v6 =	vld [tilespmem:s15+$0x70];
	[tilespmem:s14+$0x9F20] =	vst v3  }
0x42: {  	v3 =	vld [tilespmem:s15+$0x0];
	[tilespmem:s14+$0x9F30] =	vst v1  }
0x43: {  	v1 =	vld [tilespmem:s15+$0x10];
	[tilespmem:s14+$0x9F40] =	vst v2  }
0x44: {  	v2 =	vld [tilespmem:s15+$0x20];
	[tilespmem:s14+$0x9F50] =	vst v4  }
0x45: {  	v4 =	vld [tilespmem:s15+$0x30];
	[tilespmem:s14+$0x9F60] =	vst v5  }
0x46: {  	v5 =	vld [tilespmem:s15+$0x40];
	[tilespmem:s15+$0x9F70] =	vst v6  }
0x47: {  	[tilespmem:s15+$0x9F00] =	vst v3;
	v3 =	vld [tilespmem:s15+$0x50]  }
0x48: {  	[tilespmem:s15+$0x9F10] =	vst v1;
	v1 =	vld [tilespmem:s15+$0x60]  }
0x49: {  	[tilespmem:s15+$0x9F20] =	vst v2  }
0x4a: {  	[tilespmem:s15+$0x9F30] =	vst v4  }
0x4b: {  	[tilespmem:s15+$0x9F40] =	vst v5  }
0x4c: {  	[tilespmem:s15+$0x9F50] =	vst v3  }
0x4d: {  	s31 =	simm.s32 $0x0;
	[tilespmem:s15+$0x9F60] =	vst v1  }
0x4e: {  	[hbm4b:s4+s31] =	stream.linear.scatter [tilespmem:s12], [sflag:$0x1], $0x2800, $0x38;
	[tilespmem:$0xC700] =	vst v63  }
0x4f: {  	_ =	swait.ge [sflag:s9], $0x2800  }
0x50: {  	[sflag:s9] =	ssyncset.done $0x0  }
0x51: {  	s14 =	simm.s32 $0x0;
	[sflag:s9] =	ssyncadd.s32 $0xFFFFD800  }
0x52: {  	v4 =	vld [tilespmem:s14+$0x2870]  }
0x53: {  	v5 =	vld [tilespmem:s14+$0x2800]  }
0x54: {  	v6 =	vld [tilespmem:s14+$0x2810]  }
0x55: {  	v3 =	vld [tilespmem:s14+$0x2820]  }
0x56: {  	v1 =	vld [tilespmem:s14+$0x2830]  }
0x57: {  	v2 =	vld [tilespmem:s14+$0x2840];
	[tilespmem:s14+$0x9F70] =	vst v4  }
0x58: {  	[tilespmem:s14+$0x9F00] =	vst v5;
	v4 =	vld [tilespmem:s14+$0x2850]  }
0x59: {  	s16 =	simm.s32 $0x400;
	s15 =	simm.s32 $0x80;
	[tilespmem:s14+$0x9F10] =	vst v6;
	v5 =	vld [tilespmem:s14+$0x2860]  }
.LBB2_8:
0x5a: {  	p0 =	sne.s32 s16, $0x9E00;
	v6 =	vld [tilespmem:s15+$0x2870];
	[tilespmem:s14+$0x9F20] =	vst v3  }
0x5b: {  	v7 =	vld [tilespmem:s15+$0x2800];
	[tilespmem:s14+$0x9F30] =	vst v1  }
0x5c: {  	v8 =	vld [tilespmem:s15+$0x2810];
	[tilespmem:s14+$0x9F40] =	vst v2  }
.Ltmp3:
0x5d: {  	v3 =	vld [tilespmem:s15+$0x2820];
	[tilespmem:s14+$0x9F50] =	vst v4;
	(pc) =	sbr.rel @p0 .LBB2_8-.Ltmp3, $4  }
0x5e: {  	v1 =	vld [tilespmem:s15+$0x2830];
	[tilespmem:s14+$0x9F60] =	vst v5;
	s14 =	smov.u32 s15  }
0x5f: {  	v2 =	vld [tilespmem:s14+$0x2840];
	[tilespmem:s14+$0x9F70] =	vst v6  }
0x60: {  	[tilespmem:s14+$0x9F00] =	vst v7;
	v4 =	vld [tilespmem:s14+$0x2850]  }
0x61: {  	s15 =	sshra.s32 s16, $0x2;
	s16 =	sadd.s32 $0x200, s16;
	[tilespmem:s14+$0x9F10] =	vst v8;
	v5 =	vld [tilespmem:s14+$0x2860]  }
0x62: {  	v6 =	vld [tilespmem:s15+$0x2870];
	[tilespmem:s14+$0x9F20] =	vst v3  }
0x63: {  	v3 =	vld [tilespmem:s15+$0x2800];
	[tilespmem:s14+$0x9F30] =	vst v1  }
0x64: {  	v1 =	vld [tilespmem:s15+$0x2810];
	[tilespmem:s14+$0x9F40] =	vst v2  }
0x65: {  	v2 =	vld [tilespmem:s15+$0x2820];
	[tilespmem:s14+$0x9F50] =	vst v4  }
0x66: {  	v4 =	vld [tilespmem:s15+$0x2830];
	[tilespmem:s14+$0x9F60] =	vst v5  }
0x67: {  	v5 =	vld [tilespmem:s15+$0x2840];
	[tilespmem:s15+$0x9F70] =	vst v6  }
0x68: {  	[tilespmem:s15+$0x9F00] =	vst v3;
	v3 =	vld [tilespmem:s15+$0x2850]  }
0x69: {  	[tilespmem:s15+$0x9F10] =	vst v1;
	v1 =	vld [tilespmem:s15+$0x2860]  }
0x6a: {  	[tilespmem:s15+$0x9F20] =	vst v2  }
0x6b: {  	[tilespmem:s15+$0x9F30] =	vst v4  }
0x6c: {  	s13 =	sadd.s32 $0x1, s13;
	[tilespmem:s15+$0x9F40] =	vst v5  }
0x6d: {  	p0 =	sne.s32 s13, s7;
	[tilespmem:s15+$0x9F50] =	vst v3  }
.Ltmp4:
0x6e: {  	[tilespmem:s15+$0x9F60] =	vst v1;
	(pc) =	sbr.rel @p0 .LBB2_1-.Ltmp4, $4  }
0x6f: {  	[hbm4b:s6+s2] =	stream.linear.scatter [tilespmem:s12], [sflag:$0x1], $0x2800, $0x38;
	[tilespmem:$0xC700] =	vst v63  }
0x70: {  	_ =	swait.ge [sflag:s9], $0x2800  }
0x71: {  	[sflag:s9] =	ssyncset.done $0x0  }
0x72: {  	[sflag:s9] =	ssyncadd.s32 $0xFFFFD800  }
0x73: {  	_ =	sfence.sel $0x180000  }
0x74: {  	[bflag:$0x0] =	sbarrier.arrive $0xFFFF  }
0x75: {  	p0 =	sne.s32 s1, $0x0;
	_ =	strace $0x90000047  }
0x76: {  	s0 =	sadd.s32 @!p0 $0x100000, s0;
	[bflag:$0x2] =	sbarrier.arrive $0xFFFF  }
0x77: {  	[sflag:s0] =	ssyncadd.tile.s32 @!p0 $0x1;
	_ =	shalt  }
.Lfunc_end2:
_tile_overlayer_lowered:
.L_overlay_start_2:
0x78: {  	(tag) =	ssettag $0x2  }
0x79: {  	s0 =	rddreg [dreg:$0x0];
	s2 =	stileid.u32  }
0x7a: {  	s1 =	rddreg [dreg:$0x1];
	p0 =	sne.s32 s2, $0x0  }
0x7b: {  	s3 =	rddreg [dreg:$0x2];
	[bflag:$0x3] =	sbarrier.arrive $0xFFFF;
	s2 =	simm.s32 @!p0 $0x1C01  }
0x7c: {  	[timem:s3], [sflag:s2] =	dma.local @!p0 [hbm:s0], s1  }
0x7d: {  	s0 =	simm.s32 @!p0 $0x1  }
0x7e: {  	_ =	swait.ge @!p0 [sflag:s0], s1  }
0x7f: {  	s1 =	ssub.s32 @!p0 $0x0, s1;
	[sflag:s0] =	ssyncset.done @!p0 $0x0  }
0x80: {  	[sflag:s0] =	ssyncadd.s32 @!p0 s1  }
0x81: {  	[bflag:$0x3] =	sbarrier.arrive $0xFFFF  }
0x82: {  	_ =	shalt  }

</sc_bundles>
